<compile_context>
chip_gen: v7x
topology: tpu7x:2x2x1
jax: 0.10.2.dev20260603
libtpu: 0.0.44.dev20260713+nightly
codegen_flags: <defaults>
</compile_context>

<pallas_src>
import functools

import jax
import jax.numpy as jnp
from jax import lax
from jax.experimental import pallas as pl
from jax.experimental.pallas import tpu as pltpu
from jax.experimental.pallas import tpu_sc as plsc

B = 16384
V = 100000
H = 128
D = 64

_CHUNKS = (8192, 8192)


_NC = 2
_NS = 16
_NW = _NC * _NS
_CHUNK = 128
_NBUF = 4


def _gather_body(nch, x0_hbm, x1_hbm, e0_hbm, e1_hbm, out0, out1,
                 idx0_v, idx1_v, r0, r1, r2, r3,
                 g0, g1, g2, g3, t0, t1, t2, t3):
    bpw = nch * _CHUNK
    wid = lax.axis_index("s") * _NC + lax.axis_index("c")
    rows = (r0, r1, r2, r3)
    gsems = (g0, g1, g2, g3)
    ssems = (t0, t1, t2, t3)
    base = wid * bpw
    tasks = [(e0_hbm, idx0_v, out0, j) for j in range(nch)] + \
            [(e1_hbm, idx1_v, out1, j) for j in range(nch)]
    nt = len(tasks)
    nb = min(_NBUF, nt)
    gh = [None] * nb
    sh = [None] * nt
    pltpu.sync_copy(x0_hbm.at[pl.ds(wid * nch, nch)], idx0_v)
    for t in range(min(nch, nb)):
        table, idx_v, _, j = tasks[t]
        gh[t] = pltpu.async_copy(table.at[idx_v.at[j]], rows[t], gsems[t])
    pltpu.sync_copy(x1_hbm.at[pl.ds(wid * nch, nch)], idx1_v)
    for t in range(min(nch, nb), nb):
        table, idx_v, _, j = tasks[t]
        gh[t] = pltpu.async_copy(table.at[idx_v.at[j]], rows[t], gsems[t])
    for t in range(nt):
        b = t % nb
        gh[b].wait()
        _, _, out, j = tasks[t]
        sh[t] = pltpu.async_copy(rows[b], out.at[pl.ds(base + j * _CHUNK,
                                                       _CHUNK)], ssems[b])
        if t + nb < nt:
            sh[t].wait()
            table, idx_v, _, j2 = tasks[t + nb]
            gh[b] = pltpu.async_copy(table.at[idx_v.at[j2]], rows[b],
                                     gsems[b])
    for t in range(max(0, nt - nb), nt):
        sh[t].wait()


@functools.cache
def _make_sc_gather(nr):
    nch = nr // _NW // _CHUNK
    return pl.kernel(
        functools.partial(_gather_body, nch),
        mesh=plsc.VectorSubcoreMesh(core_axis_name="c", subcore_axis_name="s"),
        out_type=[
            jax.ShapeDtypeStruct((nr, H), jnp.float32),
            jax.ShapeDtypeStruct((nr, H), jnp.float32),
        ],
        scratch_types=[
            pltpu.VMEM((nch, _CHUNK), jnp.int32),
            pltpu.VMEM((nch, _CHUNK), jnp.int32),
            pltpu.VMEM((_CHUNK, H), jnp.float32),
            pltpu.VMEM((_CHUNK, H), jnp.float32),
            pltpu.VMEM((_CHUNK, H), jnp.float32),
            pltpu.VMEM((_CHUNK, H), jnp.float32),
            pltpu.SemaphoreType.DMA,
            pltpu.SemaphoreType.DMA,
            pltpu.SemaphoreType.DMA,
            pltpu.SemaphoreType.DMA,
            pltpu.SemaphoreType.DMA,
            pltpu.SemaphoreType.DMA,
            pltpu.SemaphoreType.DMA,
            pltpu.SemaphoreType.DMA,
        ],
    )



_BS = 4096


def _silu(v):
    return v * jax.nn.sigmoid(v)


def _mlp_math(e0, e1, w1a, w1b, w2, w3, mavg, b1, b2, b3):
    z = jnp.dot(e0, w1a, preferred_element_type=jnp.float32)
    z += jnp.dot(e1, w1b, preferred_element_type=jnp.float32)
    z = _silu(z + b1)
    c = z - jnp.dot(z, mavg, preferred_element_type=jnp.float32)
    var = jnp.dot(c * c, mavg, preferred_element_type=jnp.float32)
    z = c * lax.rsqrt(var + 1e-5)
    z = _silu(jnp.dot(z, w2, preferred_element_type=jnp.float32) + b2)
    return jnp.dot(z, w3, preferred_element_type=jnp.float32) + b3


def _mlp_body(e0_ref, e1_ref, w1a_ref, w1b_ref, w2_ref, w3_ref, mavg_ref,
              b1_ref, b2_ref, b3_ref, out_ref):
    out_ref[...] = _mlp_math(
        e0_ref[...], e1_ref[...], w1a_ref[...], w1b_ref[...], w2_ref[...],
        w3_ref[...], mavg_ref[...], b1_ref[...], b2_ref[...], b3_ref[...])


def _mlp_body_aliased(prev_ref, e0_ref, e1_ref, w1a_ref, w1b_ref, w2_ref,
                      w3_ref, mavg_ref, b1_ref, b2_ref, b3_ref, out_ref):
    del prev_ref
    out_ref[...] = _mlp_math(
        e0_ref[...], e1_ref[...], w1a_ref[...], w1b_ref[...], w2_ref[...],
        w3_ref[...], mavg_ref[...], b1_ref[...], b2_ref[...], b3_ref[...])


def _mlp_chunk(row_off, prev, e0c, e1c, weights):
    bs = min(_BS, e0c.shape[0])
    nblk = e0c.shape[0] // bs
    off = row_off // bs
    row_spec = pl.BlockSpec((bs, H), lambda i: (i, 0))
    w_spec = pl.BlockSpec((H, H), lambda i: (0, 0))
    b_spec = pl.BlockSpec((1, H), lambda i: (0, 0))
    out_spec = pl.BlockSpec((bs, H), lambda i: (i + off, 0))
    common = dict(
        grid=(nblk,),
        out_specs=out_spec,
        out_shape=jax.ShapeDtypeStruct((B, H), jnp.float32),
    )
    wspecs = [w_spec] * 5 + [b_spec] * 3
    if prev is None:
        return pl.pallas_call(
            _mlp_body,
            in_specs=[row_spec, row_spec] + wspecs,
            **common,
        )(e0c, e1c, *weights)
    return pl.pallas_call(
        _mlp_body_aliased,
        in_specs=[pl.BlockSpec(memory_space=pl.ANY), row_spec, row_spec]
                 + wspecs,
        input_output_aliases={0: 0},
        **common,
    )(prev, e0c, e1c, *weights)



def kernel(x, E0, E1,
           W1_0, b1_0, W2_0, b2_0, W3_0, b3_0,
           W1_1, b1_1, W2_1, b2_1, W3_1, b3_1):
    w1 = jnp.concatenate([W1_0.T, W1_1.T], axis=1)
    w1a, w1b = w1[:H], w1[H:]
    zblk = jnp.zeros((D, D), jnp.float32)
    w2bd = jnp.block([[W2_0.T, zblk], [zblk, W2_1.T]])
    w3bd = jnp.block([[W3_0.T, zblk], [zblk, W3_1.T]])
    ones = jnp.full((D, D), 1.0 / D, jnp.float32)
    mavg = jnp.block([[ones, zblk], [zblk, ones]])
    b1 = jnp.concatenate([b1_0, b1_1]).reshape(1, 2 * D)
    b2 = jnp.concatenate([b2_0, b2_1]).reshape(1, 2 * D)
    b3 = jnp.concatenate([b3_0, b3_1]).reshape(1, 2 * D)
    weights = (w1a, w1b, w2bd, w3bd, mavg, b1, b2, b3)

    x0 = x[:, 0].reshape(B // _CHUNK, _CHUNK)
    x1 = x[:, 1].reshape(B // _CHUNK, _CHUNK)
    pairs = []
    off = 0
    for nr in _CHUNKS:
        r0, r1 = off // _CHUNK, (off + nr) // _CHUNK
        pairs.append((off, _make_sc_gather(nr)(x0[r0:r1], x1[r0:r1], E0, E1)))
        off += nr
    out = None
    for off, (e0c, e1c) in pairs:
        out = _mlp_chunk(off, out, e0c, e1c, weights)
    return out

# --- scband reference (transcript-rebuilt; emitter-appended) ---
"""Pipeline reference for scband-splitup-model-44272522887594 (READ-ONLY COPY).

The authoritative reference and input builder live on the scoring server;
editing this copy changes nothing except your own understanding.
"""

import jax, jax.numpy as jnp
import numpy as np

B = 16384
V = 100000
H = 128
D = 64  # hidden_dim // n_tasks

def _silu(v):
    return v * jax.nn.sigmoid(v)

def _ln(v, eps=1e-5):
    m = jnp.mean(v, axis=-1, keepdims=True)
    s = jnp.mean((v - m) ** 2, axis=-1, keepdims=True)
    return (v - m) / jnp.sqrt(s + eps)

def setup_inputs(seed: int = 0) -> dict:
    key = jax.random.key(seed)
    ks = jax.random.split(key, 16)
    inp = {}
    inp["x"] = jax.random.randint(ks[0], (B, 2), 0, V, dtype=jnp.int32)
    # nn.Embedding default init: N(0, 1)
    inp["E0"] = jax.random.normal(ks[1], (V, H), dtype=jnp.float32)
    inp["E1"] = jax.random.normal(ks[2], (V, H), dtype=jnp.float32)
    # per-task MLP params (Linear(2H->D), Linear(D->D), MuReadout(D->64) ~ Linear)
    i = 3
    for t in range(2):
        inp[f"W1_{t}"] = jax.random.normal(ks[i], (D, 2 * H), dtype=jnp.float32) * 0.05; i += 1
        inp[f"b1_{t}"] = jnp.zeros((D,), dtype=jnp.float32)
        inp[f"W2_{t}"] = jax.random.normal(ks[i], (D, D), dtype=jnp.float32) * 0.1; i += 1
        inp[f"b2_{t}"] = jnp.zeros((D,), dtype=jnp.float32)
        inp[f"W3_{t}"] = jax.random.normal(ks[i], (64, D), dtype=jnp.float32) * 0.1; i += 1
        inp[f"b3_{t}"] = jnp.zeros((64,), dtype=jnp.float32)
    return inp

def reference(x, E0, E1,
              W1_0, b1_0, W2_0, b2_0, W3_0, b3_0,
              W1_1, b1_1, W2_1, b2_1, W3_1, b3_1):
    # embedding lookups (one table per input column), then concat
    e0 = jnp.take(E0, x[:, 0], axis=0)
    e1 = jnp.take(E1, x[:, 1], axis=0)
    h = jnp.concatenate([e0, e1], axis=1)  # [B, 2H]

    def task(h, W1, b1, W2, b2, W3, b3):
        z = _silu(h @ W1.T + b1)
        z = _ln(z)
        z = _silu(z @ W2.T + b2)
        return z @ W3.T + b3  # MuReadout treated as linear (width_mult=1)

    o0 = task(h, W1_0, b1_0, W2_0, b2_0, W3_0, b3_0)
    o1 = task(h, W1_1, b1_1, W2_1, b2_1, W3_1, b3_1)
    return jnp.concatenate([o0, o1], axis=1)  # [B, 128]

if __name__ == "__main__":
    import jax
    _d = setup_inputs()
    print(jax.jit(kernel)(*tuple(_d.values())))

</pallas_src>

<mosaic_0001>
#map = affine_map<(d0, d1) -> (0, 0)>
module attributes {stable_mosaic.version = 14 : i64} {
  func.func @_gather_body(%arg0: i32, %arg1: i32, %arg2: memref<64x128xi32, #tpu.memory_space<hbm>>, %arg3: memref<64x128xi32, #tpu.memory_space<hbm>>, %arg4: memref<100000x128xf32, #tpu.memory_space<hbm>>, %arg5: memref<100000x128xf32, #tpu.memory_space<hbm>>, %arg6: memref<8192x128xf32, #tpu.memory_space<hbm>>, %arg7: memref<8192x128xf32, #tpu.memory_space<hbm>>, %arg8: memref<2x128xi32, #tpu.memory_space<vmem>>, %arg9: memref<2x128xi32, #tpu.memory_space<vmem>>, %arg10: memref<128x128xf32, #tpu.memory_space<vmem>>, %arg11: memref<128x128xf32, #tpu.memory_space<vmem>>, %arg12: memref<128x128xf32, #tpu.memory_space<vmem>>, %arg13: memref<128x128xf32, #tpu.memory_space<vmem>>, %arg14: memref<!tpu.dma_semaphore, #tpu.memory_space<semaphore_mem>>, %arg15: memref<!tpu.dma_semaphore, #tpu.memory_space<semaphore_mem>>, %arg16: memref<!tpu.dma_semaphore, #tpu.memory_space<semaphore_mem>>, %arg17: memref<!tpu.dma_semaphore, #tpu.memory_space<semaphore_mem>>, %arg18: memref<!tpu.dma_semaphore, #tpu.memory_space<semaphore_mem>>, %arg19: memref<!tpu.dma_semaphore, #tpu.memory_space<semaphore_mem>>, %arg20: memref<!tpu.dma_semaphore, #tpu.memory_space<semaphore_mem>>, %arg21: memref<!tpu.dma_semaphore, #tpu.memory_space<semaphore_mem>>) attributes {dimension_semantics = [#tpu.dimension_semantics<core_parallel>, #tpu.dimension_semantics<subcore_parallel>], iteration_bounds = array<i64: 2, 16>, scalar_prefetch = 0 : i64, scratch_operands = 14 : i64, tpu.core_type = #tpu.core_type<sc_vector_subcore>, window_params = [{transform_indices = #map}, {transform_indices = #map}, {transform_indices = #map}, {transform_indices = #map}, {transform_indices = #map}, {transform_indices = #map}]} {
    %mul3A = arith.constant 2 : i32
    %mul3A_0 = arith.muli %arg1, %mul3A : i32
    %add3A = arith.addi %mul3A_0, %arg0 : i32
    %mul3A_1 = arith.constant 256 : i32
    %mul3A_2 = arith.muli %add3A, %mul3A_1 : i32
    %mul3A_3 = arith.constant 2 : i32
    %mul3A_4 = arith.muli %add3A, %mul3A_3 : i32
    "tpu.region"() ({
      %run_scoped3A = tpu.sem_alloc : memref<!tpu.dma_semaphore, #tpu.memory_space<semaphore_mem>>
      %dma_start3A_101 = arith.constant 0 : i32
      %dma_start3A_102 = tpu.memref_slice %arg2[%mul3A_4, %dma_start3A_101] : memref<64x128xi32, #tpu.memory_space<hbm>> -> memref<2x128xi32, #tpu.memory_space<hbm>>
      %dma_start3A_103 = arith.constant 0 : i32
      %dma_start3A_104 = tpu.memref_slice %arg2[%mul3A_4, %dma_start3A_103] : memref<64x128xi32, #tpu.memory_space<hbm>> -> memref<2x128xi32, #tpu.memory_space<hbm>>
      tpu.enqueue_dma source(%dma_start3A_104 : memref<2x128xi32, #tpu.memory_space<hbm>>) target(%arg8 : memref<2x128xi32, #tpu.memory_space<vmem>>) target_semaphore(%run_scoped3A : memref<!tpu.dma_semaphore, #tpu.memory_space<semaphore_mem>>)
      %dma_wait3A_105 = arith.constant 0 : i32
      %dma_wait3A_106 = tpu.memref_slice %arg2[%mul3A_4, %dma_wait3A_105] : memref<64x128xi32, #tpu.memory_space<hbm>> -> memref<2x128xi32, #tpu.memory_space<hbm>>
      %dma_wait3A_107 = arith.constant 0 : i32
      %dma_wait3A_108 = tpu.memref_slice %arg2[%mul3A_4, %dma_wait3A_107] : memref<64x128xi32, #tpu.memory_space<hbm>> -> memref<2x128xi32, #tpu.memory_space<hbm>>
      tpu.wait_dma2 semaphore(%run_scoped3A : memref<!tpu.dma_semaphore, #tpu.memory_space<semaphore_mem>>) src(%dma_wait3A_108 : memref<2x128xi32, #tpu.memory_space<hbm>>) dst(%arg8 : memref<2x128xi32, #tpu.memory_space<vmem>>)
      tpu.yield
    }) : () -> ()
    %dma_start3A = arith.constant 0 : i32
    %dma_start3A_5 = arith.constant 0 : i32
    %dma_start3A_6 = tpu.memref_slice %arg8[%dma_start3A, %dma_start3A_5] : memref<2x128xi32, #tpu.memory_space<vmem>> -> memref<1x128xi32, #tpu.memory_space<vmem>>
    %dma_start3A_7 = tpu.memref_squeeze %dma_start3A_6 : memref<1x128xi32, #tpu.memory_space<vmem>> -> memref<128xi32, #tpu.memory_space<vmem>>
    %dma_start3A_8 = arith.constant 0 : i32
    %dma_start3A_9 = arith.constant 0 : i32
    %dma_start3A_10 = tpu.memref_slice %arg4[%dma_start3A_8, %dma_start3A_9] : memref<100000x128xf32, #tpu.memory_space<hbm>> -> memref<100000x128xf32, #tpu.memory_space<hbm>>
    tpu.enqueue_indirect_dma source(%dma_start3A_10 : memref<100000x128xf32, #tpu.memory_space<hbm>>) target(%arg10 : memref<128x128xf32, #tpu.memory_space<vmem>>) offsets(%dma_start3A_7 : memref<128xi32, #tpu.memory_space<vmem>>) semaphore(%arg14 : memref<!tpu.dma_semaphore, #tpu.memory_space<semaphore_mem>>)
    %dma_start3A_11 = arith.constant 1 : i32
    %dma_start3A_12 = arith.constant 0 : i32
    %dma_start3A_13 = tpu.memref_slice %arg8[%dma_start3A_11, %dma_start3A_12] : memref<2x128xi32, #tpu.memory_space<vmem>> -> memref<1x128xi32, #tpu.memory_space<vmem>>
    %dma_start3A_14 = tpu.memref_squeeze %dma_start3A_13 : memref<1x128xi32, #tpu.memory_space<vmem>> -> memref<128xi32, #tpu.memory_space<vmem>>
    %dma_start3A_15 = arith.constant 0 : i32
    %dma_start3A_16 = arith.constant 0 : i32
    %dma_start3A_17 = tpu.memref_slice %arg4[%dma_start3A_15, %dma_start3A_16] : memref<100000x128xf32, #tpu.memory_space<hbm>> -> memref<100000x128xf32, #tpu.memory_space<hbm>>
    tpu.enqueue_indirect_dma source(%dma_start3A_17 : memref<100000x128xf32, #tpu.memory_space<hbm>>) target(%arg11 : memref<128x128xf32, #tpu.memory_space<vmem>>) offsets(%dma_start3A_14 : memref<128xi32, #tpu.memory_space<vmem>>) semaphore(%arg15 : memref<!tpu.dma_semaphore, #tpu.memory_space<semaphore_mem>>)
    %mul3A_18 = arith.constant 2 : i32
    %mul3A_19 = arith.muli %add3A, %mul3A_18 : i32
    "tpu.region"() ({
      %run_scoped3A = tpu.sem_alloc : memref<!tpu.dma_semaphore, #tpu.memory_space<semaphore_mem>>
      %dma_start3A_101 = arith.constant 0 : i32
      %dma_start3A_102 = tpu.memref_slice %arg3[%mul3A_19, %dma_start3A_101] : memref<64x128xi32, #tpu.memory_space<hbm>> -> memref<2x128xi32, #tpu.memory_space<hbm>>
      %dma_start3A_103 = arith.constant 0 : i32
      %dma_start3A_104 = tpu.memref_slice %arg3[%mul3A_19, %dma_start3A_103] : memref<64x128xi32, #tpu.memory_space<hbm>> -> memref<2x128xi32, #tpu.memory_space<hbm>>
      tpu.enqueue_dma source(%dma_start3A_104 : memref<2x128xi32, #tpu.memory_space<hbm>>) target(%arg9 : memref<2x128xi32, #tpu.memory_space<vmem>>) target_semaphore(%run_scoped3A : memref<!tpu.dma_semaphore, #tpu.memory_space<semaphore_mem>>)
      %dma_wait3A_105 = arith.constant 0 : i32
      %dma_wait3A_106 = tpu.memref_slice %arg3[%mul3A_19, %dma_wait3A_105] : memref<64x128xi32, #tpu.memory_space<hbm>> -> memref<2x128xi32, #tpu.memory_space<hbm>>
      %dma_wait3A_107 = arith.constant 0 : i32
      %dma_wait3A_108 = tpu.memref_slice %arg3[%mul3A_19, %dma_wait3A_107] : memref<64x128xi32, #tpu.memory_space<hbm>> -> memref<2x128xi32, #tpu.memory_space<hbm>>
      tpu.wait_dma2 semaphore(%run_scoped3A : memref<!tpu.dma_semaphore, #tpu.memory_space<semaphore_mem>>) src(%dma_wait3A_108 : memref<2x128xi32, #tpu.memory_space<hbm>>) dst(%arg9 : memref<2x128xi32, #tpu.memory_space<vmem>>)
      tpu.yield
    }) : () -> ()
    %dma_start3A_20 = arith.constant 0 : i32
    %dma_start3A_21 = arith.constant 0 : i32
    %dma_start3A_22 = tpu.memref_slice %arg9[%dma_start3A_20, %dma_start3A_21] : memref<2x128xi32, #tpu.memory_space<vmem>> -> memref<1x128xi32, #tpu.memory_space<vmem>>
    %dma_start3A_23 = tpu.memref_squeeze %dma_start3A_22 : memref<1x128xi32, #tpu.memory_space<vmem>> -> memref<128xi32, #tpu.memory_space<vmem>>
    %dma_start3A_24 = arith.constant 0 : i32
    %dma_start3A_25 = arith.constant 0 : i32
    %dma_start3A_26 = tpu.memref_slice %arg5[%dma_start3A_24, %dma_start3A_25] : memref<100000x128xf32, #tpu.memory_space<hbm>> -> memref<100000x128xf32, #tpu.memory_space<hbm>>
    tpu.enqueue_indirect_dma source(%dma_start3A_26 : memref<100000x128xf32, #tpu.memory_space<hbm>>) target(%arg12 : memref<128x128xf32, #tpu.memory_space<vmem>>) offsets(%dma_start3A_23 : memref<128xi32, #tpu.memory_space<vmem>>) semaphore(%arg16 : memref<!tpu.dma_semaphore, #tpu.memory_space<semaphore_mem>>)
    %dma_start3A_27 = arith.constant 1 : i32
    %dma_start3A_28 = arith.constant 0 : i32
    %dma_start3A_29 = tpu.memref_slice %arg9[%dma_start3A_27, %dma_start3A_28] : memref<2x128xi32, #tpu.memory_space<vmem>> -> memref<1x128xi32, #tpu.memory_space<vmem>>
    %dma_start3A_30 = tpu.memref_squeeze %dma_start3A_29 : memref<1x128xi32, #tpu.memory_space<vmem>> -> memref<128xi32, #tpu.memory_space<vmem>>
    %dma_start3A_31 = arith.constant 0 : i32
    %dma_start3A_32 = arith.constant 0 : i32
    %dma_start3A_33 = tpu.memref_slice %arg5[%dma_start3A_31, %dma_start3A_32] : memref<100000x128xf32, #tpu.memory_space<hbm>> -> memref<100000x128xf32, #tpu.memory_space<hbm>>
    tpu.enqueue_indirect_dma source(%dma_start3A_33 : memref<100000x128xf32, #tpu.memory_space<hbm>>) target(%arg13 : memref<128x128xf32, #tpu.memory_space<vmem>>) offsets(%dma_start3A_30 : memref<128xi32, #tpu.memory_space<vmem>>) semaphore(%arg17 : memref<!tpu.dma_semaphore, #tpu.memory_space<semaphore_mem>>)
    %dma_wait3A = arith.constant 0 : i32
    %dma_wait3A_34 = arith.constant 0 : i32
    %dma_wait3A_35 = tpu.memref_slice %arg8[%dma_wait3A, %dma_wait3A_34] : memref<2x128xi32, #tpu.memory_space<vmem>> -> memref<1x128xi32, #tpu.memory_space<vmem>>
    %dma_wait3A_36 = tpu.memref_squeeze %dma_wait3A_35 : memref<1x128xi32, #tpu.memory_space<vmem>> -> memref<128xi32, #tpu.memory_space<vmem>>
    %dma_wait3A_37 = arith.constant 0 : i32
    %dma_wait3A_38 = arith.constant 0 : i32
    %dma_wait3A_39 = tpu.memref_slice %arg4[%dma_wait3A_37, %dma_wait3A_38] : memref<100000x128xf32, #tpu.memory_space<hbm>> -> memref<100000x128xf32, #tpu.memory_space<hbm>>
    tpu.wait_indirect_dma semaphore(%arg14 : memref<!tpu.dma_semaphore, #tpu.memory_space<semaphore_mem>>) src(%dma_wait3A_39 : memref<100000x128xf32, #tpu.memory_space<hbm>>) dst(%arg10 : memref<128x128xf32, #tpu.memory_space<vmem>>)
    %add3A_40 = arith.constant 0 : i32
    %add3A_41 = arith.addi %mul3A_2, %add3A_40 : i32
    %dma_start3A_42 = arith.constant 0 : i32
    %dma_start3A_43 = tpu.memref_slice %arg6[%add3A_41, %dma_start3A_42] : memref<8192x128xf32, #tpu.memory_space<hbm>> -> memref<128x128xf32, #tpu.memory_space<hbm>>
    %dma_start3A_44 = arith.constant 0 : i32
    %dma_start3A_45 = tpu.memref_slice %arg6[%add3A_41, %dma_start3A_44] : memref<8192x128xf32, #tpu.memory_space<hbm>> -> memref<128x128xf32, #tpu.memory_space<hbm>>
    tpu.enqueue_dma source(%arg10 : memref<128x128xf32, #tpu.memory_space<vmem>>) target(%dma_start3A_45 : memref<128x128xf32, #tpu.memory_space<hbm>>) target_semaphore(%arg18 : memref<!tpu.dma_semaphore, #tpu.memory_space<semaphore_mem>>)
    %dma_wait3A_46 = arith.constant 1 : i32
    %dma_wait3A_47 = arith.constant 0 : i32
    %dma_wait3A_48 = tpu.memref_slice %arg8[%dma_wait3A_46, %dma_wait3A_47] : memref<2x128xi32, #tpu.memory_space<vmem>> -> memref<1x128xi32, #tpu.memory_space<vmem>>
    %dma_wait3A_49 = tpu.memref_squeeze %dma_wait3A_48 : memref<1x128xi32, #tpu.memory_space<vmem>> -> memref<128xi32, #tpu.memory_space<vmem>>
    %dma_wait3A_50 = arith.constant 0 : i32
    %dma_wait3A_51 = arith.constant 0 : i32
    %dma_wait3A_52 = tpu.memref_slice %arg4[%dma_wait3A_50, %dma_wait3A_51] : memref<100000x128xf32, #tpu.memory_space<hbm>> -> memref<100000x128xf32, #tpu.memory_space<hbm>>
    tpu.wait_indirect_dma semaphore(%arg15 : memref<!tpu.dma_semaphore, #tpu.memory_space<semaphore_mem>>) src(%dma_wait3A_52 : memref<100000x128xf32, #tpu.memory_space<hbm>>) dst(%arg11 : memref<128x128xf32, #tpu.memory_space<vmem>>)
    %add3A_53 = arith.constant 128 : i32
    %add3A_54 = arith.addi %mul3A_2, %add3A_53 : i32
    %dma_start3A_55 = arith.constant 0 : i32
    %dma_start3A_56 = tpu.memref_slice %arg6[%add3A_54, %dma_start3A_55] : memref<8192x128xf32, #tpu.memory_space<hbm>> -> memref<128x128xf32, #tpu.memory_space<hbm>>
    %dma_start3A_57 = arith.constant 0 : i32
    %dma_start3A_58 = tpu.memref_slice %arg6[%add3A_54, %dma_start3A_57] : memref<8192x128xf32, #tpu.memory_space<hbm>> -> memref<128x128xf32, #tpu.memory_space<hbm>>
    tpu.enqueue_dma source(%arg11 : memref<128x128xf32, #tpu.memory_space<vmem>>) target(%dma_start3A_58 : memref<128x128xf32, #tpu.memory_space<hbm>>) target_semaphore(%arg19 : memref<!tpu.dma_semaphore, #tpu.memory_space<semaphore_mem>>)
    %dma_wait3A_59 = arith.constant 0 : i32
    %dma_wait3A_60 = arith.constant 0 : i32
    %dma_wait3A_61 = tpu.memref_slice %arg9[%dma_wait3A_59, %dma_wait3A_60] : memref<2x128xi32, #tpu.memory_space<vmem>> -> memref<1x128xi32, #tpu.memory_space<vmem>>
    %dma_wait3A_62 = tpu.memref_squeeze %dma_wait3A_61 : memref<1x128xi32, #tpu.memory_space<vmem>> -> memref<128xi32, #tpu.memory_space<vmem>>
    %dma_wait3A_63 = arith.constant 0 : i32
    %dma_wait3A_64 = arith.constant 0 : i32
    %dma_wait3A_65 = tpu.memref_slice %arg5[%dma_wait3A_63, %dma_wait3A_64] : memref<100000x128xf32, #tpu.memory_space<hbm>> -> memref<100000x128xf32, #tpu.memory_space<hbm>>
    tpu.wait_indirect_dma semaphore(%arg16 : memref<!tpu.dma_semaphore, #tpu.memory_space<semaphore_mem>>) src(%dma_wait3A_65 : memref<100000x128xf32, #tpu.memory_space<hbm>>) dst(%arg12 : memref<128x128xf32, #tpu.memory_space<vmem>>)
    %add3A_66 = arith.constant 0 : i32
    %add3A_67 = arith.addi %mul3A_2, %add3A_66 : i32
    %dma_start3A_68 = arith.constant 0 : i32
    %dma_start3A_69 = tpu.memref_slice %arg7[%add3A_67, %dma_start3A_68] : memref<8192x128xf32, #tpu.memory_space<hbm>> -> memref<128x128xf32, #tpu.memory_space<hbm>>
    %dma_start3A_70 = arith.constant 0 : i32
    %dma_start3A_71 = tpu.memref_slice %arg7[%add3A_67, %dma_start3A_70] : memref<8192x128xf32, #tpu.memory_space<hbm>> -> memref<128x128xf32, #tpu.memory_space<hbm>>
    tpu.enqueue_dma source(%arg12 : memref<128x128xf32, #tpu.memory_space<vmem>>) target(%dma_start3A_71 : memref<128x128xf32, #tpu.memory_space<hbm>>) target_semaphore(%arg20 : memref<!tpu.dma_semaphore, #tpu.memory_space<semaphore_mem>>)
    %dma_wait3A_72 = arith.constant 1 : i32
    %dma_wait3A_73 = arith.constant 0 : i32
    %dma_wait3A_74 = tpu.memref_slice %arg9[%dma_wait3A_72, %dma_wait3A_73] : memref<2x128xi32, #tpu.memory_space<vmem>> -> memref<1x128xi32, #tpu.memory_space<vmem>>
    %dma_wait3A_75 = tpu.memref_squeeze %dma_wait3A_74 : memref<1x128xi32, #tpu.memory_space<vmem>> -> memref<128xi32, #tpu.memory_space<vmem>>
    %dma_wait3A_76 = arith.constant 0 : i32
    %dma_wait3A_77 = arith.constant 0 : i32
    %dma_wait3A_78 = tpu.memref_slice %arg5[%dma_wait3A_76, %dma_wait3A_77] : memref<100000x128xf32, #tpu.memory_space<hbm>> -> memref<100000x128xf32, #tpu.memory_space<hbm>>
    tpu.wait_indirect_dma semaphore(%arg17 : memref<!tpu.dma_semaphore, #tpu.memory_space<semaphore_mem>>) src(%dma_wait3A_78 : memref<100000x128xf32, #tpu.memory_space<hbm>>) dst(%arg13 : memref<128x128xf32, #tpu.memory_space<vmem>>)
    %add3A_79 = arith.constant 128 : i32
    %add3A_80 = arith.addi %mul3A_2, %add3A_79 : i32
    %dma_start3A_81 = arith.constant 0 : i32
    %dma_start3A_82 = tpu.memref_slice %arg7[%add3A_80, %dma_start3A_81] : memref<8192x128xf32, #tpu.memory_space<hbm>> -> memref<128x128xf32, #tpu.memory_space<hbm>>
    %dma_start3A_83 = arith.constant 0 : i32
    %dma_start3A_84 = tpu.memref_slice %arg7[%add3A_80, %dma_start3A_83] : memref<8192x128xf32, #tpu.memory_space<hbm>> -> memref<128x128xf32, #tpu.memory_space<hbm>>
    tpu.enqueue_dma source(%arg13 : memref<128x128xf32, #tpu.memory_space<vmem>>) target(%dma_start3A_84 : memref<128x128xf32, #tpu.memory_space<hbm>>) target_semaphore(%arg21 : memref<!tpu.dma_semaphore, #tpu.memory_space<semaphore_mem>>)
    %dma_wait3A_85 = arith.constant 0 : i32
    %dma_wait3A_86 = tpu.memref_slice %arg6[%add3A_41, %dma_wait3A_85] : memref<8192x128xf32, #tpu.memory_space<hbm>> -> memref<128x128xf32, #tpu.memory_space<hbm>>
    %dma_wait3A_87 = arith.constant 0 : i32
    %dma_wait3A_88 = tpu.memref_slice %arg6[%add3A_41, %dma_wait3A_87] : memref<8192x128xf32, #tpu.memory_space<hbm>> -> memref<128x128xf32, #tpu.memory_space<hbm>>
    tpu.wait_dma2 semaphore(%arg18 : memref<!tpu.dma_semaphore, #tpu.memory_space<semaphore_mem>>) src(%arg10 : memref<128x128xf32, #tpu.memory_space<vmem>>) dst(%dma_wait3A_88 : memref<128x128xf32, #tpu.memory_space<hbm>>)
    %dma_wait3A_89 = arith.constant 0 : i32
    %dma_wait3A_90 = tpu.memref_slice %arg6[%add3A_54, %dma_wait3A_89] : memref<8192x128xf32, #tpu.memory_space<hbm>> -> memref<128x128xf32, #tpu.memory_space<hbm>>
    %dma_wait3A_91 = arith.constant 0 : i32
    %dma_wait3A_92 = tpu.memref_slice %arg6[%add3A_54, %dma_wait3A_91] : memref<8192x128xf32, #tpu.memory_space<hbm>> -> memref<128x128xf32, #tpu.memory_space<hbm>>
    tpu.wait_dma2 semaphore(%arg19 : memref<!tpu.dma_semaphore, #tpu.memory_space<semaphore_mem>>) src(%arg11 : memref<128x128xf32, #tpu.memory_space<vmem>>) dst(%dma_wait3A_92 : memref<128x128xf32, #tpu.memory_space<hbm>>)
    %dma_wait3A_93 = arith.constant 0 : i32
    %dma_wait3A_94 = tpu.memref_slice %arg7[%add3A_67, %dma_wait3A_93] : memref<8192x128xf32, #tpu.memory_space<hbm>> -> memref<128x128xf32, #tpu.memory_space<hbm>>
    %dma_wait3A_95 = arith.constant 0 : i32
    %dma_wait3A_96 = tpu.memref_slice %arg7[%add3A_67, %dma_wait3A_95] : memref<8192x128xf32, #tpu.memory_space<hbm>> -> memref<128x128xf32, #tpu.memory_space<hbm>>
    tpu.wait_dma2 semaphore(%arg20 : memref<!tpu.dma_semaphore, #tpu.memory_space<semaphore_mem>>) src(%arg12 : memref<128x128xf32, #tpu.memory_space<vmem>>) dst(%dma_wait3A_96 : memref<128x128xf32, #tpu.memory_space<hbm>>)
    %dma_wait3A_97 = arith.constant 0 : i32
    %dma_wait3A_98 = tpu.memref_slice %arg7[%add3A_80, %dma_wait3A_97] : memref<8192x128xf32, #tpu.memory_space<hbm>> -> memref<128x128xf32, #tpu.memory_space<hbm>>
    %dma_wait3A_99 = arith.constant 0 : i32
    %dma_wait3A_100 = tpu.memref_slice %arg7[%add3A_80, %dma_wait3A_99] : memref<8192x128xf32, #tpu.memory_space<hbm>> -> memref<128x128xf32, #tpu.memory_space<hbm>>
    tpu.wait_dma2 semaphore(%arg21 : memref<!tpu.dma_semaphore, #tpu.memory_space<semaphore_mem>>) src(%arg13 : memref<128x128xf32, #tpu.memory_space<vmem>>) dst(%dma_wait3A_100 : memref<128x128xf32, #tpu.memory_space<hbm>>)
    return
  }
}

#map = affine_map<(d0, d1) -> (0, 0)>
module attributes {stable_mosaic.version = 14 : i64} {
  func.func @_gather_body(%arg0: i32, %arg1: i32, %arg2: memref<64x128xi32, #tpu.memory_space<hbm>>, %arg3: memref<64x128xi32, #tpu.memory_space<hbm>>, %arg4: memref<100000x128xf32, #tpu.memory_space<hbm>>, %arg5: memref<100000x128xf32, #tpu.memory_space<hbm>>, %arg6: memref<8192x128xf32, #tpu.memory_space<hbm>>, %arg7: memref<8192x128xf32, #tpu.memory_space<hbm>>, %arg8: memref<2x128xi32, #tpu.memory_space<vmem>>, %arg9: memref<2x128xi32, #tpu.memory_space<vmem>>, %arg10: memref<128x128xf32, #tpu.memory_space<vmem>>, %arg11: memref<128x128xf32, #tpu.memory_space<vmem>>, %arg12: memref<128x128xf32, #tpu.memory_space<vmem>>, %arg13: memref<128x128xf32, #tpu.memory_space<vmem>>, %arg14: memref<!tpu.dma_semaphore, #tpu.memory_space<semaphore_mem>>, %arg15: memref<!tpu.dma_semaphore, #tpu.memory_space<semaphore_mem>>, %arg16: memref<!tpu.dma_semaphore, #tpu.memory_space<semaphore_mem>>, %arg17: memref<!tpu.dma_semaphore, #tpu.memory_space<semaphore_mem>>, %arg18: memref<!tpu.dma_semaphore, #tpu.memory_space<semaphore_mem>>, %arg19: memref<!tpu.dma_semaphore, #tpu.memory_space<semaphore_mem>>, %arg20: memref<!tpu.dma_semaphore, #tpu.memory_space<semaphore_mem>>, %arg21: memref<!tpu.dma_semaphore, #tpu.memory_space<semaphore_mem>>) attributes {dimension_semantics = [#tpu.dimension_semantics<core_parallel>, #tpu.dimension_semantics<subcore_parallel>], iteration_bounds = array<i64: 2, 16>, scalar_prefetch = 0 : i64, scratch_operands = 14 : i64, tpu.core_type = #tpu.core_type<sc_vector_subcore>, window_params = [{transform_indices = #map}, {transform_indices = #map}, {transform_indices = #map}, {transform_indices = #map}, {transform_indices = #map}, {transform_indices = #map}]} {
    %mul3A = arith.constant 2 : i32
    %mul3A_0 = arith.muli %arg1, %mul3A : i32
    %add3A = arith.addi %mul3A_0, %arg0 : i32
    %mul3A_1 = arith.constant 256 : i32
    %mul3A_2 = arith.muli %add3A, %mul3A_1 : i32
    %mul3A_3 = arith.constant 2 : i32
    %mul3A_4 = arith.muli %add3A, %mul3A_3 : i32
    "tpu.region"() ({
      %run_scoped3A = tpu.sem_alloc : memref<!tpu.dma_semaphore, #tpu.memory_space<semaphore_mem>>
      %dma_start3A_101 = arith.constant 0 : i32
      %dma_start3A_102 = tpu.memref_slice %arg2[%mul3A_4, %dma_start3A_101] : memref<64x128xi32, #tpu.memory_space<hbm>> -> memref<2x128xi32, #tpu.memory_space<hbm>>
      %dma_start3A_103 = arith.constant 0 : i32
      %dma_start3A_104 = tpu.memref_slice %arg2[%mul3A_4, %dma_start3A_103] : memref<64x128xi32, #tpu.memory_space<hbm>> -> memref<2x128xi32, #tpu.memory_space<hbm>>
      tpu.enqueue_dma source(%dma_start3A_104 : memref<2x128xi32, #tpu.memory_space<hbm>>) target(%arg8 : memref<2x128xi32, #tpu.memory_space<vmem>>) target_semaphore(%run_scoped3A : memref<!tpu.dma_semaphore, #tpu.memory_space<semaphore_mem>>)
      %dma_wait3A_105 = arith.constant 0 : i32
      %dma_wait3A_106 = tpu.memref_slice %arg2[%mul3A_4, %dma_wait3A_105] : memref<64x128xi32, #tpu.memory_space<hbm>> -> memref<2x128xi32, #tpu.memory_space<hbm>>
      %dma_wait3A_107 = arith.constant 0 : i32
      %dma_wait3A_108 = tpu.memref_slice %arg2[%mul3A_4, %dma_wait3A_107] : memref<64x128xi32, #tpu.memory_space<hbm>> -> memref<2x128xi32, #tpu.memory_space<hbm>>
      tpu.wait_dma2 semaphore(%run_scoped3A : memref<!tpu.dma_semaphore, #tpu.memory_space<semaphore_mem>>) src(%dma_wait3A_108 : memref<2x128xi32, #tpu.memory_space<hbm>>) dst(%arg8 : memref<2x128xi32, #tpu.memory_space<vmem>>)
      tpu.yield
    }) : () -> ()
    %dma_start3A = arith.constant 0 : i32
    %dma_start3A_5 = arith.constant 0 : i32
    %dma_start3A_6 = tpu.memref_slice %arg8[%dma_start3A, %dma_start3A_5] : memref<2x128xi32, #tpu.memory_space<vmem>> -> memref<1x128xi32, #tpu.memory_space<vmem>>
    %dma_start3A_7 = tpu.memref_squeeze %dma_start3A_6 : memref<1x128xi32, #tpu.memory_space<vmem>> -> memref<128xi32, #tpu.memory_space<vmem>>
    %dma_start3A_8 = arith.constant 0 : i32
    %dma_start3A_9 = arith.constant 0 : i32
    %dma_start3A_10 = tpu.memref_slice %arg4[%dma_start3A_8, %dma_start3A_9] : memref<100000x128xf32, #tpu.memory_space<hbm>> -> memref<100000x128xf32, #tpu.memory_space<hbm>>
    tpu.enqueue_indirect_dma source(%dma_start3A_10 : memref<100000x128xf32, #tpu.memory_space<hbm>>) target(%arg10 : memref<128x128xf32, #tpu.memory_space<vmem>>) offsets(%dma_start3A_7 : memref<128xi32, #tpu.memory_space<vmem>>) semaphore(%arg14 : memref<!tpu.dma_semaphore, #tpu.memory_space<semaphore_mem>>)
    %dma_start3A_11 = arith.constant 1 : i32
    %dma_start3A_12 = arith.constant 0 : i32
    %dma_start3A_13 = tpu.memref_slice %arg8[%dma_start3A_11, %dma_start3A_12] : memref<2x128xi32, #tpu.memory_space<vmem>> -> memref<1x128xi32, #tpu.memory_space<vmem>>
    %dma_start3A_14 = tpu.memref_squeeze %dma_start3A_13 : memref<1x128xi32, #tpu.memory_space<vmem>> -> memref<128xi32, #tpu.memory_space<vmem>>
    %dma_start3A_15 = arith.constant 0 : i32
    %dma_start3A_16 = arith.constant 0 : i32
    %dma_start3A_17 = tpu.memref_slice %arg4[%dma_start3A_15, %dma_start3A_16] : memref<100000x128xf32, #tpu.memory_space<hbm>> -> memref<100000x128xf32, #tpu.memory_space<hbm>>
    tpu.enqueue_indirect_dma source(%dma_start3A_17 : memref<100000x128xf32, #tpu.memory_space<hbm>>) target(%arg11 : memref<128x128xf32, #tpu.memory_space<vmem>>) offsets(%dma_start3A_14 : memref<128xi32, #tpu.memory_space<vmem>>) semaphore(%arg15 : memref<!tpu.dma_semaphore, #tpu.memory_space<semaphore_mem>>)
    %mul3A_18 = arith.constant 2 : i32
    %mul3A_19 = arith.muli %add3A, %mul3A_18 : i32
    "tpu.region"() ({
      %run_scoped3A = tpu.sem_alloc : memref<!tpu.dma_semaphore, #tpu.memory_space<semaphore_mem>>
      %dma_start3A_101 = arith.constant 0 : i32
      %dma_start3A_102 = tpu.memref_slice %arg3[%mul3A_19, %dma_start3A_101] : memref<64x128xi32, #tpu.memory_space<hbm>> -> memref<2x128xi32, #tpu.memory_space<hbm>>
      %dma_start3A_103 = arith.constant 0 : i32
      %dma_start3A_104 = tpu.memref_slice %arg3[%mul3A_19, %dma_start3A_103] : memref<64x128xi32, #tpu.memory_space<hbm>> -> memref<2x128xi32, #tpu.memory_space<hbm>>
      tpu.enqueue_dma source(%dma_start3A_104 : memref<2x128xi32, #tpu.memory_space<hbm>>) target(%arg9 : memref<2x128xi32, #tpu.memory_space<vmem>>) target_semaphore(%run_scoped3A : memref<!tpu.dma_semaphore, #tpu.memory_space<semaphore_mem>>)
      %dma_wait3A_105 = arith.constant 0 : i32
      %dma_wait3A_106 = tpu.memref_slice %arg3[%mul3A_19, %dma_wait3A_105] : memref<64x128xi32, #tpu.memory_space<hbm>> -> memref<2x128xi32, #tpu.memory_space<hbm>>
      %dma_wait3A_107 = arith.constant 0 : i32
      %dma_wait3A_108 = tpu.memref_slice %arg3[%mul3A_19, %dma_wait3A_107] : memref<64x128xi32, #tpu.memory_space<hbm>> -> memref<2x128xi32, #tpu.memory_space<hbm>>
      tpu.wait_dma2 semaphore(%run_scoped3A : memref<!tpu.dma_semaphore, #tpu.memory_space<semaphore_mem>>) src(%dma_wait3A_108 : memref<2x128xi32, #tpu.memory_space<hbm>>) dst(%arg9 : memref<2x128xi32, #tpu.memory_space<vmem>>)
      tpu.yield
    }) : () -> ()
    %dma_start3A_20 = arith.constant 0 : i32
    %dma_start3A_21 = arith.constant 0 : i32
    %dma_start3A_22 = tpu.memref_slice %arg9[%dma_start3A_20, %dma_start3A_21] : memref<2x128xi32, #tpu.memory_space<vmem>> -> memref<1x128xi32, #tpu.memory_space<vmem>>
    %dma_start3A_23 = tpu.memref_squeeze %dma_start3A_22 : memref<1x128xi32, #tpu.memory_space<vmem>> -> memref<128xi32, #tpu.memory_space<vmem>>
    %dma_start3A_24 = arith.constant 0 : i32
    %dma_start3A_25 = arith.constant 0 : i32
    %dma_start3A_26 = tpu.memref_slice %arg5[%dma_start3A_24, %dma_start3A_25] : memref<100000x128xf32, #tpu.memory_space<hbm>> -> memref<100000x128xf32, #tpu.memory_space<hbm>>
    tpu.enqueue_indirect_dma source(%dma_start3A_26 : memref<100000x128xf32, #tpu.memory_space<hbm>>) target(%arg12 : memref<128x128xf32, #tpu.memory_space<vmem>>) offsets(%dma_start3A_23 : memref<128xi32, #tpu.memory_space<vmem>>) semaphore(%arg16 : memref<!tpu.dma_semaphore, #tpu.memory_space<semaphore_mem>>)
    %dma_start3A_27 = arith.constant 1 : i32
    %dma_start3A_28 = arith.constant 0 : i32
    %dma_start3A_29 = tpu.memref_slice %arg9[%dma_start3A_27, %dma_start3A_28] : memref<2x128xi32, #tpu.memory_space<vmem>> -> memref<1x128xi32, #tpu.memory_space<vmem>>
    %dma_start3A_30 = tpu.memref_squeeze %dma_start3A_29 : memref<1x128xi32, #tpu.memory_space<vmem>> -> memref<128xi32, #tpu.memory_space<vmem>>
    %dma_start3A_31 = arith.constant 0 : i32
    %dma_start3A_32 = arith.constant 0 : i32
    %dma_start3A_33 = tpu.memref_slice %arg5[%dma_start3A_31, %dma_start3A_32] : memref<100000x128xf32, #tpu.memory_space<hbm>> -> memref<100000x128xf32, #tpu.memory_space<hbm>>
    tpu.enqueue_indirect_dma source(%dma_start3A_33 : memref<100000x128xf32, #tpu.memory_space<hbm>>) target(%arg13 : memref<128x128xf32, #tpu.memory_space<vmem>>) offsets(%dma_start3A_30 : memref<128xi32, #tpu.memory_space<vmem>>) semaphore(%arg17 : memref<!tpu.dma_semaphore, #tpu.memory_space<semaphore_mem>>)
    %dma_wait3A = arith.constant 0 : i32
    %dma_wait3A_34 = arith.constant 0 : i32
    %dma_wait3A_35 = tpu.memref_slice %arg8[%dma_wait3A, %dma_wait3A_34] : memref<2x128xi32, #tpu.memory_space<vmem>> -> memref<1x128xi32, #tpu.memory_space<vmem>>
    %dma_wait3A_36 = tpu.memref_squeeze %dma_wait3A_35 : memref<1x128xi32, #tpu.memory_space<vmem>> -> memref<128xi32, #tpu.memory_space<vmem>>
    %dma_wait3A_37 = arith.constant 0 : i32
    %dma_wait3A_38 = arith.constant 0 : i32
    %dma_wait3A_39 = tpu.memref_slice %arg4[%dma_wait3A_37, %dma_wait3A_38] : memref<100000x128xf32, #tpu.memory_space<hbm>> -> memref<100000x128xf32, #tpu.memory_space<hbm>>
    tpu.wait_indirect_dma semaphore(%arg14 : memref<!tpu.dma_semaphore, #tpu.memory_space<semaphore_mem>>) src(%dma_wait3A_39 : memref<100000x128xf32, #tpu.memory_space<hbm>>) dst(%arg10 : memref<128x128xf32, #tpu.memory_space<vmem>>)
    %add3A_40 = arith.constant 0 : i32
    %add3A_41 = arith.addi %mul3A_2, %add3A_40 : i32
    %dma_start3A_42 = arith.constant 0 : i32
    %dma_start3A_43 = tpu.memref_slice %arg6[%add3A_41, %dma_start3A_42] : memref<8192x128xf32, #tpu.memory_space<hbm>> -> memref<128x128xf32, #tpu.memory_space<hbm>>
    %dma_start3A_44 = arith.constant 0 : i32
    %dma_start3A_45 = tpu.memref_slice %arg6[%add3A_41, %dma_start3A_44] : memref<8192x128xf32, #tpu.memory_space<hbm>> -> memref<128x128xf32, #tpu.memory_space<hbm>>
    tpu.enqueue_dma source(%arg10 : memref<128x128xf32, #tpu.memory_space<vmem>>) target(%dma_start3A_45 : memref<128x128xf32, #tpu.memory_space<hbm>>) target_semaphore(%arg18 : memref<!tpu.dma_semaphore, #tpu.memory_space<semaphore_mem>>)
    %dma_wait3A_46 = arith.constant 1 : i32
    %dma_wait3A_47 = arith.constant 0 : i32
    %dma_wait3A_48 = tpu.memref_slice %arg8[%dma_wait3A_46, %dma_wait3A_47] : memref<2x128xi32, #tpu.memory_space<vmem>> -> memref<1x128xi32, #tpu.memory_space<vmem>>
    %dma_wait3A_49 = tpu.memref_squeeze %dma_wait3A_48 : memref<1x128xi32, #tpu.memory_space<vmem>> -> memref<128xi32, #tpu.memory_space<vmem>>
    %dma_wait3A_50 = arith.constant 0 : i32
    %dma_wait3A_51 = arith.constant 0 : i32
    %dma_wait3A_52 = tpu.memref_slice %arg4[%dma_wait3A_50, %dma_wait3A_51] : memref<100000x128xf32, #tpu.memory_space<hbm>> -> memref<100000x128xf32, #tpu.memory_space<hbm>>
    tpu.wait_indirect_dma semaphore(%arg15 : memref<!tpu.dma_semaphore, #tpu.memory_space<semaphore_mem>>) src(%dma_wait3A_52 : memref<100000x128xf32, #tpu.memory_space<hbm>>) dst(%arg11 : memref<128x128xf32, #tpu.memory_space<vmem>>)
    %add3A_53 = arith.constant 128 : i32
    %add3A_54 = arith.addi %mul3A_2, %add3A_53 : i32
    %dma_start3A_55 = arith.constant 0 : i32
    %dma_start3A_56 = tpu.memref_slice %arg6[%add3A_54, %dma_start3A_55] : memref<8192x128xf32, #tpu.memory_space<hbm>> -> memref<128x128xf32, #tpu.memory_space<hbm>>
    %dma_start3A_57 = arith.constant 0 : i32
    %dma_start3A_58 = tpu.memref_slice %arg6[%add3A_54, %dma_start3A_57] : memref<8192x128xf32, #tpu.memory_space<hbm>> -> memref<128x128xf32, #tpu.memory_space<hbm>>
    tpu.enqueue_dma source(%arg11 : memref<128x128xf32, #tpu.memory_space<vmem>>) target(%dma_start3A_58 : memref<128x128xf32, #tpu.memory_space<hbm>>) target_semaphore(%arg19 : memref<!tpu.dma_semaphore, #tpu.memory_space<semaphore_mem>>)
    %dma_wait3A_59 = arith.constant 0 : i32
    %dma_wait3A_60 = arith.constant 0 : i32
    %dma_wait3A_61 = tpu.memref_slice %arg9[%dma_wait3A_59, %dma_wait3A_60] : memref<2x128xi32, #tpu.memory_space<vmem>> -> memref<1x128xi32, #tpu.memory_space<vmem>>
    %dma_wait3A_62 = tpu.memref_squeeze %dma_wait3A_61 : memref<1x128xi32, #tpu.memory_space<vmem>> -> memref<128xi32, #tpu.memory_space<vmem>>
    %dma_wait3A_63 = arith.constant 0 : i32
    %dma_wait3A_64 = arith.constant 0 : i32
    %dma_wait3A_65 = tpu.memref_slice %arg5[%dma_wait3A_63, %dma_wait3A_64] : memref<100000x128xf32, #tpu.memory_space<hbm>> -> memref<100000x128xf32, #tpu.memory_space<hbm>>
    tpu.wait_indirect_dma semaphore(%arg16 : memref<!tpu.dma_semaphore, #tpu.memory_space<semaphore_mem>>) src(%dma_wait3A_65 : memref<100000x128xf32, #tpu.memory_space<hbm>>) dst(%arg12 : memref<128x128xf32, #tpu.memory_space<vmem>>)
    %add3A_66 = arith.constant 0 : i32
    %add3A_67 = arith.addi %mul3A_2, %add3A_66 : i32
    %dma_start3A_68 = arith.constant 0 : i32
    %dma_start3A_69 = tpu.memref_slice %arg7[%add3A_67, %dma_start3A_68] : memref<8192x128xf32, #tpu.memory_space<hbm>> -> memref<128x128xf32, #tpu.memory_space<hbm>>
    %dma_start3A_70 = arith.constant 0 : i32
    %dma_start3A_71 = tpu.memref_slice %arg7[%add3A_67, %dma_start3A_70] : memref<8192x128xf32, #tpu.memory_space<hbm>> -> memref<128x128xf32, #tpu.memory_space<hbm>>
    tpu.enqueue_dma source(%arg12 : memref<128x128xf32, #tpu.memory_space<vmem>>) target(%dma_start3A_71 : memref<128x128xf32, #tpu.memory_space<hbm>>) target_semaphore(%arg20 : memref<!tpu.dma_semaphore, #tpu.memory_space<semaphore_mem>>)
    %dma_wait3A_72 = arith.constant 1 : i32
    %dma_wait3A_73 = arith.constant 0 : i32
    %dma_wait3A_74 = tpu.memref_slice %arg9[%dma_wait3A_72, %dma_wait3A_73] : memref<2x128xi32, #tpu.memory_space<vmem>> -> memref<1x128xi32, #tpu.memory_space<vmem>>
    %dma_wait3A_75 = tpu.memref_squeeze %dma_wait3A_74 : memref<1x128xi32, #tpu.memory_space<vmem>> -> memref<128xi32, #tpu.memory_space<vmem>>
    %dma_wait3A_76 = arith.constant 0 : i32
    %dma_wait3A_77 = arith.constant 0 : i32
    %dma_wait3A_78 = tpu.memref_slice %arg5[%dma_wait3A_76, %dma_wait3A_77] : memref<100000x128xf32, #tpu.memory_space<hbm>> -> memref<100000x128xf32, #tpu.memory_space<hbm>>
    tpu.wait_indirect_dma semaphore(%arg17 : memref<!tpu.dma_semaphore, #tpu.memory_space<semaphore_mem>>) src(%dma_wait3A_78 : memref<100000x128xf32, #tpu.memory_space<hbm>>) dst(%arg13 : memref<128x128xf32, #tpu.memory_space<vmem>>)
    %add3A_79 = arith.constant 128 : i32
    %add3A_80 = arith.addi %mul3A_2, %add3A_79 : i32
    %dma_start3A_81 = arith.constant 0 : i32
    %dma_start3A_82 = tpu.memref_slice %arg7[%add3A_80, %dma_start3A_81] : memref<8192x128xf32, #tpu.memory_space<hbm>> -> memref<128x128xf32, #tpu.memory_space<hbm>>
    %dma_start3A_83 = arith.constant 0 : i32
    %dma_start3A_84 = tpu.memref_slice %arg7[%add3A_80, %dma_start3A_83] : memref<8192x128xf32, #tpu.memory_space<hbm>> -> memref<128x128xf32, #tpu.memory_space<hbm>>
    tpu.enqueue_dma source(%arg13 : memref<128x128xf32, #tpu.memory_space<vmem>>) target(%dma_start3A_84 : memref<128x128xf32, #tpu.memory_space<hbm>>) target_semaphore(%arg21 : memref<!tpu.dma_semaphore, #tpu.memory_space<semaphore_mem>>)
    %dma_wait3A_85 = arith.constant 0 : i32
    %dma_wait3A_86 = tpu.memref_slice %arg6[%add3A_41, %dma_wait3A_85] : memref<8192x128xf32, #tpu.memory_space<hbm>> -> memref<128x128xf32, #tpu.memory_space<hbm>>
    %dma_wait3A_87 = arith.constant 0 : i32
    %dma_wait3A_88 = tpu.memref_slice %arg6[%add3A_41, %dma_wait3A_87] : memref<8192x128xf32, #tpu.memory_space<hbm>> -> memref<128x128xf32, #tpu.memory_space<hbm>>
    tpu.wait_dma2 semaphore(%arg18 : memref<!tpu.dma_semaphore, #tpu.memory_space<semaphore_mem>>) src(%arg10 : memref<128x128xf32, #tpu.memory_space<vmem>>) dst(%dma_wait3A_88 : memref<128x128xf32, #tpu.memory_space<hbm>>)
    %dma_wait3A_89 = arith.constant 0 : i32
    %dma_wait3A_90 = tpu.memref_slice %arg6[%add3A_54, %dma_wait3A_89] : memref<8192x128xf32, #tpu.memory_space<hbm>> -> memref<128x128xf32, #tpu.memory_space<hbm>>
    %dma_wait3A_91 = arith.constant 0 : i32
    %dma_wait3A_92 = tpu.memref_slice %arg6[%add3A_54, %dma_wait3A_91] : memref<8192x128xf32, #tpu.memory_space<hbm>> -> memref<128x128xf32, #tpu.memory_space<hbm>>
    tpu.wait_dma2 semaphore(%arg19 : memref<!tpu.dma_semaphore, #tpu.memory_space<semaphore_mem>>) src(%arg11 : memref<128x128xf32, #tpu.memory_space<vmem>>) dst(%dma_wait3A_92 : memref<128x128xf32, #tpu.memory_space<hbm>>)
    %dma_wait3A_93 = arith.constant 0 : i32
    %dma_wait3A_94 = tpu.memref_slice %arg7[%add3A_67, %dma_wait3A_93] : memref<8192x128xf32, #tpu.memory_space<hbm>> -> memref<128x128xf32, #tpu.memory_space<hbm>>
    %dma_wait3A_95 = arith.constant 0 : i32
    %dma_wait3A_96 = tpu.memref_slice %arg7[%add3A_67, %dma_wait3A_95] : memref<8192x128xf32, #tpu.memory_space<hbm>> -> memref<128x128xf32, #tpu.memory_space<hbm>>
    tpu.wait_dma2 semaphore(%arg20 : memref<!tpu.dma_semaphore, #tpu.memory_space<semaphore_mem>>) src(%arg12 : memref<128x128xf32, #tpu.memory_space<vmem>>) dst(%dma_wait3A_96 : memref<128x128xf32, #tpu.memory_space<hbm>>)
    %dma_wait3A_97 = arith.constant 0 : i32
    %dma_wait3A_98 = tpu.memref_slice %arg7[%add3A_80, %dma_wait3A_97] : memref<8192x128xf32, #tpu.memory_space<hbm>> -> memref<128x128xf32, #tpu.memory_space<hbm>>
    %dma_wait3A_99 = arith.constant 0 : i32
    %dma_wait3A_100 = tpu.memref_slice %arg7[%add3A_80, %dma_wait3A_99] : memref<8192x128xf32, #tpu.memory_space<hbm>> -> memref<128x128xf32, #tpu.memory_space<hbm>>
    tpu.wait_dma2 semaphore(%arg21 : memref<!tpu.dma_semaphore, #tpu.memory_space<semaphore_mem>>) src(%arg13 : memref<128x128xf32, #tpu.memory_space<vmem>>) dst(%dma_wait3A_100 : memref<128x128xf32, #tpu.memory_space<hbm>>)
    return
  }
}

module attributes {stable_mosaic.version = 14 : i64} {
  func.func @_mlp_body_aliased(%arg0: i32, %arg1: memref<16384x128xf32, #tpu.memory_space<any>>, %arg2: memref<4096x128xf32, #tpu.memory_space<vmem>>, %arg3: memref<4096x128xf32, #tpu.memory_space<vmem>>, %arg4: memref<128x128xf32, #tpu.memory_space<vmem>>, %arg5: memref<128x128xf32, #tpu.memory_space<vmem>>, %arg6: memref<128x128xf32, #tpu.memory_space<vmem>>, %arg7: memref<128x128xf32, #tpu.memory_space<vmem>>, %arg8: memref<128x128xf32, #tpu.memory_space<vmem>>, %arg9: memref<1x128xf32, #tpu.memory_space<vmem>>, %arg10: memref<1x128xf32, #tpu.memory_space<vmem>>, %arg11: memref<1x128xf32, #tpu.memory_space<vmem>>, %arg12: memref<4096x128xf32, #tpu.memory_space<vmem>>) attributes {dimension_semantics = [#tpu.dimension_semantics<arbitrary>], iteration_bounds = array<i64: 2>, scalar_prefetch = 0 : i64, scratch_operands = 0 : i64, tpu.core_type = #tpu.core_type<tc>, window_params = [{}, {transform_indices = @transform_1, window_bounds = array<i64: 4096, 128>}, {transform_indices = @transform_2, window_bounds = array<i64: 4096, 128>}, {pipeline_mode = #tpu.pipeline_mode<synchronous>, transform_indices = @transform_3, window_bounds = array<i64: 128, 128>}, {pipeline_mode = #tpu.pipeline_mode<synchronous>, transform_indices = @transform_4, window_bounds = array<i64: 128, 128>}, {pipeline_mode = #tpu.pipeline_mode<synchronous>, transform_indices = @transform_5, window_bounds = array<i64: 128, 128>}, {pipeline_mode = #tpu.pipeline_mode<synchronous>, transform_indices = @transform_6, window_bounds = array<i64: 128, 128>}, {pipeline_mode = #tpu.pipeline_mode<synchronous>, transform_indices = @transform_7, window_bounds = array<i64: 128, 128>}, {pipeline_mode = #tpu.pipeline_mode<synchronous>, transform_indices = @transform_8, window_bounds = array<i64: 1, 128>}, {pipeline_mode = #tpu.pipeline_mode<synchronous>, transform_indices = @transform_9, window_bounds = array<i64: 1, 128>}, {pipeline_mode = #tpu.pipeline_mode<synchronous>, transform_indices = @transform_10, window_bounds = array<i64: 1, 128>}, {transform_indices = @transform_11, window_bounds = array<i64: 4096, 128>}]} {
    %get3A = arith.constant 0 : index
    %get3A_0 = arith.constant 0 : index
    %get3A_1 = vector.load %arg2[%get3A, %get3A_0] : memref<4096x128xf32, #tpu.memory_space<vmem>>, vector<4096x128xf32>
    %get3A_2 = arith.constant 0 : index
    %get3A_3 = arith.constant 0 : index
    %get3A_4 = vector.load %arg3[%get3A_2, %get3A_3] : memref<4096x128xf32, #tpu.memory_space<vmem>>, vector<4096x128xf32>
    %get3A_5 = arith.constant 0 : index
    %get3A_6 = arith.constant 0 : index
    %get3A_7 = vector.load %arg4[%get3A_5, %get3A_6] : memref<128x128xf32, #tpu.memory_space<vmem>>, vector<128x128xf32>
    %get3A_8 = arith.constant 0 : index
    %get3A_9 = arith.constant 0 : index
    %get3A_10 = vector.load %arg5[%get3A_8, %get3A_9] : memref<128x128xf32, #tpu.memory_space<vmem>>, vector<128x128xf32>
    %get3A_11 = arith.constant 0 : index
    %get3A_12 = arith.constant 0 : index
    %get3A_13 = vector.load %arg6[%get3A_11, %get3A_12] : memref<128x128xf32, #tpu.memory_space<vmem>>, vector<128x128xf32>
    %get3A_14 = arith.constant 0 : index
    %get3A_15 = arith.constant 0 : index
    %get3A_16 = vector.load %arg7[%get3A_14, %get3A_15] : memref<128x128xf32, #tpu.memory_space<vmem>>, vector<128x128xf32>
    %get3A_17 = arith.constant 0 : index
    %get3A_18 = arith.constant 0 : index
    %get3A_19 = vector.load %arg8[%get3A_17, %get3A_18] : memref<128x128xf32, #tpu.memory_space<vmem>>, vector<128x128xf32>
    %get3A_20 = arith.constant 0 : index
    %get3A_21 = arith.constant 0 : index
    %get3A_22 = vector.load %arg9[%get3A_20, %get3A_21] : memref<1x128xf32, #tpu.memory_space<vmem>>, vector<1x128xf32>
    %get3A_23 = arith.constant 0 : index
    %get3A_24 = arith.constant 0 : index
    %get3A_25 = vector.load %arg10[%get3A_23, %get3A_24] : memref<1x128xf32, #tpu.memory_space<vmem>>, vector<1x128xf32>
    %get3A_26 = arith.constant 0 : index
    %get3A_27 = arith.constant 0 : index
    %get3A_28 = vector.load %arg11[%get3A_26, %get3A_27] : memref<1x128xf32, #tpu.memory_space<vmem>>, vector<1x128xf32>
    %dot_general3A = arith.constant dense<0.000000e+00> : vector<4096x128xf32>
    %dot_general3A_29 = tpu.matmul %get3A_1, %get3A_7, %dot_general3A {dimension_numbers = #tpu.dot_dimension_numbers<[1], [0], [0], [1], [0, 0, 1, 1], [], []>, transpose_lhs_hint = false} : vector<4096x128xf32>, vector<128x128xf32>, vector<4096x128xf32> -> vector<4096x128xf32>
    %dot_general3A_30 = arith.constant dense<0.000000e+00> : vector<4096x128xf32>
    %dot_general3A_31 = tpu.matmul %get3A_4, %get3A_10, %dot_general3A_30 {dimension_numbers = #tpu.dot_dimension_numbers<[1], [0], [0], [1], [0, 0, 1, 1], [], []>, transpose_lhs_hint = false} : vector<4096x128xf32>, vector<128x128xf32>, vector<4096x128xf32> -> vector<4096x128xf32>
    %add3A = arith.addf %dot_general3A_29, %dot_general3A_31 : vector<4096x128xf32>
    %add3A_32 = vector.broadcast %get3A_22 : vector<1x128xf32> to vector<4096x128xf32>
    %add3A_33 = arith.addf %add3A, %add3A_32 : vector<4096x128xf32>
    %logistic3A = arith.negf %add3A_33 : vector<4096x128xf32>
    %logistic3A_34 = math.exp %logistic3A : vector<4096x128xf32>
    %logistic3A_35 = arith.constant 1.000000e+00 : f32
    %logistic3A_36 = vector.broadcast %logistic3A_35 : f32 to vector<4096x128xf32>
    %logistic3A_37 = arith.addf %logistic3A_36, %logistic3A_34 : vector<4096x128xf32>
    %logistic3A_38 = arith.divf %logistic3A_36, %logistic3A_37 : vector<4096x128xf32>
    %mul3A = arith.mulf %add3A_33, %logistic3A_38 : vector<4096x128xf32>
    %dot_general3A_39 = arith.constant dense<0.000000e+00> : vector<4096x128xf32>
    %dot_general3A_40 = tpu.matmul %mul3A, %get3A_19, %dot_general3A_39 {dimension_numbers = #tpu.dot_dimension_numbers<[1], [0], [0], [1], [0, 0, 1, 1], [], []>, transpose_lhs_hint = false} : vector<4096x128xf32>, vector<128x128xf32>, vector<4096x128xf32> -> vector<4096x128xf32>
    %sub3A = arith.subf %mul3A, %dot_general3A_40 : vector<4096x128xf32>
    %mul3A_41 = arith.mulf %sub3A, %sub3A : vector<4096x128xf32>
    %dot_general3A_42 = arith.constant dense<0.000000e+00> : vector<4096x128xf32>
    %dot_general3A_43 = tpu.matmul %mul3A_41, %get3A_19, %dot_general3A_42 {dimension_numbers = #tpu.dot_dimension_numbers<[1], [0], [0], [1], [0, 0, 1, 1], [], []>, transpose_lhs_hint = false} : vector<4096x128xf32>, vector<128x128xf32>, vector<4096x128xf32> -> vector<4096x128xf32>
    %add3A_44 = arith.constant 9.99999974E-6 : f32
    %add3A_45 = vector.broadcast %add3A_44 : f32 to vector<4096x128xf32>
    %add3A_46 = arith.addf %dot_general3A_43, %add3A_45 : vector<4096x128xf32>
    %rsqrt3A = math.rsqrt %add3A_46 : vector<4096x128xf32>
    %mul3A_47 = arith.mulf %sub3A, %rsqrt3A : vector<4096x128xf32>
    %dot_general3A_48 = arith.constant dense<0.000000e+00> : vector<4096x128xf32>
    %dot_general3A_49 = tpu.matmul %mul3A_47, %get3A_13, %dot_general3A_48 {dimension_numbers = #tpu.dot_dimension_numbers<[1], [0], [0], [1], [0, 0, 1, 1], [], []>, transpose_lhs_hint = false} : vector<4096x128xf32>, vector<128x128xf32>, vector<4096x128xf32> -> vector<4096x128xf32>
    %add3A_50 = vector.broadcast %get3A_25 : vector<1x128xf32> to vector<4096x128xf32>
    %add3A_51 = arith.addf %dot_general3A_49, %add3A_50 : vector<4096x128xf32>
    %logistic3A_52 = arith.negf %add3A_51 : vector<4096x128xf32>
    %logistic3A_53 = math.exp %logistic3A_52 : vector<4096x128xf32>
    %logistic3A_54 = arith.constant 1.000000e+00 : f32
    %logistic3A_55 = vector.broadcast %logistic3A_54 : f32 to vector<4096x128xf32>
    %logistic3A_56 = arith.addf %logistic3A_55, %logistic3A_53 : vector<4096x128xf32>
    %logistic3A_57 = arith.divf %logistic3A_55, %logistic3A_56 : vector<4096x128xf32>
    %mul3A_58 = arith.mulf %add3A_51, %logistic3A_57 : vector<4096x128xf32>
    %dot_general3A_59 = arith.constant dense<0.000000e+00> : vector<4096x128xf32>
    %dot_general3A_60 = tpu.matmul %mul3A_58, %get3A_16, %dot_general3A_59 {dimension_numbers = #tpu.dot_dimension_numbers<[1], [0], [0], [1], [0, 0, 1, 1], [], []>, transpose_lhs_hint = false} : vector<4096x128xf32>, vector<128x128xf32>, vector<4096x128xf32> -> vector<4096x128xf32>
    %add3A_61 = vector.broadcast %get3A_28 : vector<1x128xf32> to vector<4096x128xf32>
    %add3A_62 = arith.addf %dot_general3A_60, %add3A_61 : vector<4096x128xf32>
    %swap3A = arith.constant 0 : index
    %swap3A_63 = arith.constant 0 : index
    %swap3A_64 = vector.load %arg12[%swap3A, %swap3A_63] : memref<4096x128xf32, #tpu.memory_space<vmem>>, vector<4096x128xf32>
    tpu.vector_store %arg12[%swap3A, %swap3A_63], %add3A_62 {strides = array<i32>} : memref<4096x128xf32, #tpu.memory_space<vmem>>, vector<4096x128xf32>,
    return
  }
  func.func @transform_1(%arg0: i32) -> (i32, i32) {
    %c0_i32 = arith.constant 0 : i32
    %c0_i32_0 = arith.constant 0 : i32
    return %arg0, %c0_i32 : i32, i32
  }
  func.func @transform_2(%arg0: i32) -> (i32, i32) {
    %c0_i32 = arith.constant 0 : i32
    %c0_i32_0 = arith.constant 0 : i32
    return %arg0, %c0_i32 : i32, i32
  }
  func.func @transform_3(%arg0: i32) -> (i32, i32) {
    %c0_i32 = arith.constant 0 : i32
    %c0_i32_0 = arith.constant 0 : i32
    %c0_i32_1 = arith.constant 0 : i32
    return %c0_i32, %c0_i32_0 : i32, i32
  }
  func.func @transform_4(%arg0: i32) -> (i32, i32) {
    %c0_i32 = arith.constant 0 : i32
    %c0_i32_0 = arith.constant 0 : i32
    %c0_i32_1 = arith.constant 0 : i32
    return %c0_i32, %c0_i32_0 : i32, i32
  }
  func.func @transform_5(%arg0: i32) -> (i32, i32) {
    %c0_i32 = arith.constant 0 : i32
    %c0_i32_0 = arith.constant 0 : i32
    %c0_i32_1 = arith.constant 0 : i32
    return %c0_i32, %c0_i32_0 : i32, i32
  }
  func.func @transform_6(%arg0: i32) -> (i32, i32) {
    %c0_i32 = arith.constant 0 : i32
    %c0_i32_0 = arith.constant 0 : i32
    %c0_i32_1 = arith.constant 0 : i32
    return %c0_i32, %c0_i32_0 : i32, i32
  }
  func.func @transform_7(%arg0: i32) -> (i32, i32) {
    %c0_i32 = arith.constant 0 : i32
    %c0_i32_0 = arith.constant 0 : i32
    %c0_i32_1 = arith.constant 0 : i32
    return %c0_i32, %c0_i32_0 : i32, i32
  }
  func.func @transform_8(%arg0: i32) -> (i32, i32) {
    %c0_i32 = arith.constant 0 : i32
    %c0_i32_0 = arith.constant 0 : i32
    %c0_i32_1 = arith.constant 0 : i32
    return %c0_i32, %c0_i32_0 : i32, i32
  }
  func.func @transform_9(%arg0: i32) -> (i32, i32) {
    %c0_i32 = arith.constant 0 : i32
    %c0_i32_0 = arith.constant 0 : i32
    %c0_i32_1 = arith.constant 0 : i32
    return %c0_i32, %c0_i32_0 : i32, i32
  }
  func.func @transform_10(%arg0: i32) -> (i32, i32) {
    %c0_i32 = arith.constant 0 : i32
    %c0_i32_0 = arith.constant 0 : i32
    %c0_i32_1 = arith.constant 0 : i32
    return %c0_i32, %c0_i32_0 : i32, i32
  }
  func.func @transform_11(%arg0: i32) -> (i32, i32) {
    %add3A = arith.constant 2 : i32
    %add3A_0 = arith.addi %arg0, %add3A : i32
    %c0_i32 = arith.constant 0 : i32
    %c0_i32_1 = arith.constant 0 : i32
    return %add3A_0, %c0_i32 : i32, i32
  }
}

module attributes {stable_mosaic.version = 14 : i64} {
  func.func @_mlp_body(%arg0: i32, %arg1: memref<4096x128xf32, #tpu.memory_space<vmem>>, %arg2: memref<4096x128xf32, #tpu.memory_space<vmem>>, %arg3: memref<128x128xf32, #tpu.memory_space<vmem>>, %arg4: memref<128x128xf32, #tpu.memory_space<vmem>>, %arg5: memref<128x128xf32, #tpu.memory_space<vmem>>, %arg6: memref<128x128xf32, #tpu.memory_space<vmem>>, %arg7: memref<128x128xf32, #tpu.memory_space<vmem>>, %arg8: memref<1x128xf32, #tpu.memory_space<vmem>>, %arg9: memref<1x128xf32, #tpu.memory_space<vmem>>, %arg10: memref<1x128xf32, #tpu.memory_space<vmem>>, %arg11: memref<4096x128xf32, #tpu.memory_space<vmem>>) attributes {dimension_semantics = [#tpu.dimension_semantics<arbitrary>], iteration_bounds = array<i64: 2>, scalar_prefetch = 0 : i64, scratch_operands = 0 : i64, tpu.core_type = #tpu.core_type<tc>, window_params = [{transform_indices = @transform_0, window_bounds = array<i64: 4096, 128>}, {transform_indices = @transform_1, window_bounds = array<i64: 4096, 128>}, {pipeline_mode = #tpu.pipeline_mode<synchronous>, transform_indices = @transform_2, window_bounds = array<i64: 128, 128>}, {pipeline_mode = #tpu.pipeline_mode<synchronous>, transform_indices = @transform_3, window_bounds = array<i64: 128, 128>}, {pipeline_mode = #tpu.pipeline_mode<synchronous>, transform_indices = @transform_4, window_bounds = array<i64: 128, 128>}, {pipeline_mode = #tpu.pipeline_mode<synchronous>, transform_indices = @transform_5, window_bounds = array<i64: 128, 128>}, {pipeline_mode = #tpu.pipeline_mode<synchronous>, transform_indices = @transform_6, window_bounds = array<i64: 128, 128>}, {pipeline_mode = #tpu.pipeline_mode<synchronous>, transform_indices = @transform_7, window_bounds = array<i64: 1, 128>}, {pipeline_mode = #tpu.pipeline_mode<synchronous>, transform_indices = @transform_8, window_bounds = array<i64: 1, 128>}, {pipeline_mode = #tpu.pipeline_mode<synchronous>, transform_indices = @transform_9, window_bounds = array<i64: 1, 128>}, {transform_indices = @transform_10, window_bounds = array<i64: 4096, 128>}]} {
    %get3A = arith.constant 0 : index
    %get3A_0 = arith.constant 0 : index
    %get3A_1 = vector.load %arg1[%get3A, %get3A_0] : memref<4096x128xf32, #tpu.memory_space<vmem>>, vector<4096x128xf32>
    %get3A_2 = arith.constant 0 : index
    %get3A_3 = arith.constant 0 : index
    %get3A_4 = vector.load %arg2[%get3A_2, %get3A_3] : memref<4096x128xf32, #tpu.memory_space<vmem>>, vector<4096x128xf32>
    %get3A_5 = arith.constant 0 : index
    %get3A_6 = arith.constant 0 : index
    %get3A_7 = vector.load %arg3[%get3A_5, %get3A_6] : memref<128x128xf32, #tpu.memory_space<vmem>>, vector<128x128xf32>
    %get3A_8 = arith.constant 0 : index
    %get3A_9 = arith.constant 0 : index
    %get3A_10 = vector.load %arg4[%get3A_8, %get3A_9] : memref<128x128xf32, #tpu.memory_space<vmem>>, vector<128x128xf32>
    %get3A_11 = arith.constant 0 : index
    %get3A_12 = arith.constant 0 : index
    %get3A_13 = vector.load %arg5[%get3A_11, %get3A_12] : memref<128x128xf32, #tpu.memory_space<vmem>>, vector<128x128xf32>
    %get3A_14 = arith.constant 0 : index
    %get3A_15 = arith.constant 0 : index
    %get3A_16 = vector.load %arg6[%get3A_14, %get3A_15] : memref<128x128xf32, #tpu.memory_space<vmem>>, vector<128x128xf32>
    %get3A_17 = arith.constant 0 : index
    %get3A_18 = arith.constant 0 : index
    %get3A_19 = vector.load %arg7[%get3A_17, %get3A_18] : memref<128x128xf32, #tpu.memory_space<vmem>>, vector<128x128xf32>
    %get3A_20 = arith.constant 0 : index
    %get3A_21 = arith.constant 0 : index
    %get3A_22 = vector.load %arg8[%get3A_20, %get3A_21] : memref<1x128xf32, #tpu.memory_space<vmem>>, vector<1x128xf32>
    %get3A_23 = arith.constant 0 : index
    %get3A_24 = arith.constant 0 : index
    %get3A_25 = vector.load %arg9[%get3A_23, %get3A_24] : memref<1x128xf32, #tpu.memory_space<vmem>>, vector<1x128xf32>
    %get3A_26 = arith.constant 0 : index
    %get3A_27 = arith.constant 0 : index
    %get3A_28 = vector.load %arg10[%get3A_26, %get3A_27] : memref<1x128xf32, #tpu.memory_space<vmem>>, vector<1x128xf32>
    %dot_general3A = arith.constant dense<0.000000e+00> : vector<4096x128xf32>
    %dot_general3A_29 = tpu.matmul %get3A_1, %get3A_7, %dot_general3A {dimension_numbers = #tpu.dot_dimension_numbers<[1], [0], [0], [1], [0, 0, 1, 1], [], []>, transpose_lhs_hint = false} : vector<4096x128xf32>, vector<128x128xf32>, vector<4096x128xf32> -> vector<4096x128xf32>
    %dot_general3A_30 = arith.constant dense<0.000000e+00> : vector<4096x128xf32>
    %dot_general3A_31 = tpu.matmul %get3A_4, %get3A_10, %dot_general3A_30 {dimension_numbers = #tpu.dot_dimension_numbers<[1], [0], [0], [1], [0, 0, 1, 1], [], []>, transpose_lhs_hint = false} : vector<4096x128xf32>, vector<128x128xf32>, vector<4096x128xf32> -> vector<4096x128xf32>
    %add3A = arith.addf %dot_general3A_29, %dot_general3A_31 : vector<4096x128xf32>
    %add3A_32 = vector.broadcast %get3A_22 : vector<1x128xf32> to vector<4096x128xf32>
    %add3A_33 = arith.addf %add3A, %add3A_32 : vector<4096x128xf32>
    %logistic3A = arith.negf %add3A_33 : vector<4096x128xf32>
    %logistic3A_34 = math.exp %logistic3A : vector<4096x128xf32>
    %logistic3A_35 = arith.constant 1.000000e+00 : f32
    %logistic3A_36 = vector.broadcast %logistic3A_35 : f32 to vector<4096x128xf32>
    %logistic3A_37 = arith.addf %logistic3A_36, %logistic3A_34 : vector<4096x128xf32>
    %logistic3A_38 = arith.divf %logistic3A_36, %logistic3A_37 : vector<4096x128xf32>
    %mul3A = arith.mulf %add3A_33, %logistic3A_38 : vector<4096x128xf32>
    %dot_general3A_39 = arith.constant dense<0.000000e+00> : vector<4096x128xf32>
    %dot_general3A_40 = tpu.matmul %mul3A, %get3A_19, %dot_general3A_39 {dimension_numbers = #tpu.dot_dimension_numbers<[1], [0], [0], [1], [0, 0, 1, 1], [], []>, transpose_lhs_hint = false} : vector<4096x128xf32>, vector<128x128xf32>, vector<4096x128xf32> -> vector<4096x128xf32>
    %sub3A = arith.subf %mul3A, %dot_general3A_40 : vector<4096x128xf32>
    %mul3A_41 = arith.mulf %sub3A, %sub3A : vector<4096x128xf32>
    %dot_general3A_42 = arith.constant dense<0.000000e+00> : vector<4096x128xf32>
    %dot_general3A_43 = tpu.matmul %mul3A_41, %get3A_19, %dot_general3A_42 {dimension_numbers = #tpu.dot_dimension_numbers<[1], [0], [0], [1], [0, 0, 1, 1], [], []>, transpose_lhs_hint = false} : vector<4096x128xf32>, vector<128x128xf32>, vector<4096x128xf32> -> vector<4096x128xf32>
    %add3A_44 = arith.constant 9.99999974E-6 : f32
    %add3A_45 = vector.broadcast %add3A_44 : f32 to vector<4096x128xf32>
    %add3A_46 = arith.addf %dot_general3A_43, %add3A_45 : vector<4096x128xf32>
    %rsqrt3A = math.rsqrt %add3A_46 : vector<4096x128xf32>
    %mul3A_47 = arith.mulf %sub3A, %rsqrt3A : vector<4096x128xf32>
    %dot_general3A_48 = arith.constant dense<0.000000e+00> : vector<4096x128xf32>
    %dot_general3A_49 = tpu.matmul %mul3A_47, %get3A_13, %dot_general3A_48 {dimension_numbers = #tpu.dot_dimension_numbers<[1], [0], [0], [1], [0, 0, 1, 1], [], []>, transpose_lhs_hint = false} : vector<4096x128xf32>, vector<128x128xf32>, vector<4096x128xf32> -> vector<4096x128xf32>
    %add3A_50 = vector.broadcast %get3A_25 : vector<1x128xf32> to vector<4096x128xf32>
    %add3A_51 = arith.addf %dot_general3A_49, %add3A_50 : vector<4096x128xf32>
    %logistic3A_52 = arith.negf %add3A_51 : vector<4096x128xf32>
    %logistic3A_53 = math.exp %logistic3A_52 : vector<4096x128xf32>
    %logistic3A_54 = arith.constant 1.000000e+00 : f32
    %logistic3A_55 = vector.broadcast %logistic3A_54 : f32 to vector<4096x128xf32>
    %logistic3A_56 = arith.addf %logistic3A_55, %logistic3A_53 : vector<4096x128xf32>
    %logistic3A_57 = arith.divf %logistic3A_55, %logistic3A_56 : vector<4096x128xf32>
    %mul3A_58 = arith.mulf %add3A_51, %logistic3A_57 : vector<4096x128xf32>
    %dot_general3A_59 = arith.constant dense<0.000000e+00> : vector<4096x128xf32>
    %dot_general3A_60 = tpu.matmul %mul3A_58, %get3A_16, %dot_general3A_59 {dimension_numbers = #tpu.dot_dimension_numbers<[1], [0], [0], [1], [0, 0, 1, 1], [], []>, transpose_lhs_hint = false} : vector<4096x128xf32>, vector<128x128xf32>, vector<4096x128xf32> -> vector<4096x128xf32>
    %add3A_61 = vector.broadcast %get3A_28 : vector<1x128xf32> to vector<4096x128xf32>
    %add3A_62 = arith.addf %dot_general3A_60, %add3A_61 : vector<4096x128xf32>
    %swap3A = arith.constant 0 : index
    %swap3A_63 = arith.constant 0 : index
    %swap3A_64 = vector.load %arg11[%swap3A, %swap3A_63] : memref<4096x128xf32, #tpu.memory_space<vmem>>, vector<4096x128xf32>
    tpu.vector_store %arg11[%swap3A, %swap3A_63], %add3A_62 {strides = array<i32>} : memref<4096x128xf32, #tpu.memory_space<vmem>>, vector<4096x128xf32>,
    return
  }
  func.func @transform_0(%arg0: i32) -> (i32, i32) {
    %c0_i32 = arith.constant 0 : i32
    %c0_i32_0 = arith.constant 0 : i32
    return %arg0, %c0_i32 : i32, i32
  }
  func.func @transform_1(%arg0: i32) -> (i32, i32) {
    %c0_i32 = arith.constant 0 : i32
    %c0_i32_0 = arith.constant 0 : i32
    return %arg0, %c0_i32 : i32, i32
  }
  func.func @transform_2(%arg0: i32) -> (i32, i32) {
    %c0_i32 = arith.constant 0 : i32
    %c0_i32_0 = arith.constant 0 : i32
    %c0_i32_1 = arith.constant 0 : i32
    return %c0_i32, %c0_i32_0 : i32, i32
  }
  func.func @transform_3(%arg0: i32) -> (i32, i32) {
    %c0_i32 = arith.constant 0 : i32
    %c0_i32_0 = arith.constant 0 : i32
    %c0_i32_1 = arith.constant 0 : i32
    return %c0_i32, %c0_i32_0 : i32, i32
  }
  func.func @transform_4(%arg0: i32) -> (i32, i32) {
    %c0_i32 = arith.constant 0 : i32
    %c0_i32_0 = arith.constant 0 : i32
    %c0_i32_1 = arith.constant 0 : i32
    return %c0_i32, %c0_i32_0 : i32, i32
  }
  func.func @transform_5(%arg0: i32) -> (i32, i32) {
    %c0_i32 = arith.constant 0 : i32
    %c0_i32_0 = arith.constant 0 : i32
    %c0_i32_1 = arith.constant 0 : i32
    return %c0_i32, %c0_i32_0 : i32, i32
  }
  func.func @transform_6(%arg0: i32) -> (i32, i32) {
    %c0_i32 = arith.constant 0 : i32
    %c0_i32_0 = arith.constant 0 : i32
    %c0_i32_1 = arith.constant 0 : i32
    return %c0_i32, %c0_i32_0 : i32, i32
  }
  func.func @transform_7(%arg0: i32) -> (i32, i32) {
    %c0_i32 = arith.constant 0 : i32
    %c0_i32_0 = arith.constant 0 : i32
    %c0_i32_1 = arith.constant 0 : i32
    return %c0_i32, %c0_i32_0 : i32, i32
  }
  func.func @transform_8(%arg0: i32) -> (i32, i32) {
    %c0_i32 = arith.constant 0 : i32
    %c0_i32_0 = arith.constant 0 : i32
    %c0_i32_1 = arith.constant 0 : i32
    return %c0_i32, %c0_i32_0 : i32, i32
  }
  func.func @transform_9(%arg0: i32) -> (i32, i32) {
    %c0_i32 = arith.constant 0 : i32
    %c0_i32_0 = arith.constant 0 : i32
    %c0_i32_1 = arith.constant 0 : i32
    return %c0_i32, %c0_i32_0 : i32, i32
  }
  func.func @transform_10(%arg0: i32) -> (i32, i32) {
    %add3A = arith.constant 0 : i32
    %add3A_0 = arith.addi %arg0, %add3A : i32
    %c0_i32 = arith.constant 0 : i32
    %c0_i32_1 = arith.constant 0 : i32
    return %add3A_0, %c0_i32 : i32, i32
  }
}

</mosaic_0001>

<sc_bundles>
// kernel: kernel.6.cloned.1.call-start
scs
__scs_entry_jumppad:
0x0: {  	(pc) =	sbr.rel $0x88, $3  }
0x1: {  	(tag) =	ssettag $0x0;
	lr =	simm.s32 $0x1  }
0x2: {  	[smem:$0x3F92] =	sst lr;
	_ =	strace $0xD0000000  }
0x3: {  	_ = 	snop  }
0x4: {  	_ = 	snop  }
0x5: {  	_ = 	snop  }
0x6: {  	_ = 	snop  }
0x7: {  	_ = 	snop  }
__scs_overlays_trampoline_lowered:
0x8: {  	[smem:$0x3FA1] =	sst s0  }
0x9: {  	[smem:$0x3FA2] =	sst s1  }
0xa: {  	[smem:$0x3FA3] =	sst s2  }
0xb: {  	[smem:$0x3FA4] =	sst s3  }
0xc: {  	[smem:$0x3FA5] =	sst s4  }
0xd: {  	[smem:$0x3FA6] =	sst s5  }
0xe: {  	[smem:$0x3FA7] =	sst s6  }
0xf: {  	[smem:$0x3FA8] =	sst s7  }
0x10: {  	[smem:$0x3FA9] =	sst s8  }
0x11: {  	[smem:$0x3FAA] =	sst s9;
	s0 =	simm.s32 @!p0 $0x0  }
0x12: {  	s1 =	sld [smem:$0x3F90];
	s0 =	simm.s32 @p0 $0x1  }
0x13: {  	[smem:$0x3FAB] =	sst s0;
	s0 =	simm.s32 @!p1 $0x0  }
0x14: {  	s2 =	sld [smem:$0x3F8F];
	s0 =	simm.s32 @p1 $0x1  }
0x15: {  	[smem:$0x3FAC] =	sst s0;
	s0 =	simm.s32 @!p2 $0x0  }
0x16: {  	s3 =	sld [smem:$0x3FDB];
	s0 =	simm.s32 @p2 $0x1  }
0x17: {  	s4 =	simm.s32 $0x1BF5;
	[smem:$0x3FAE] =	sst s0  }
0x18: {  	s0 =	sld [smem:$0x3F91];
	_ =	swait.ge [sflag:s4], $0x0  }
0x19: {  	s7 =	sld [smem:$0x3F92]  }
0x1a: {  	s8 =	sadd.s32 $0xFFFFE003, lr  }
0x1b: {  	s9 =	sadd.s32 $0xFFFFFEF7, lr;
	s5 =	simm.s32 $0xFFFFFFFF;
	p2 =	slt.u32 s8, $0xFFFFF086  }
0x1c: {  	p1 =	slt.u32 s9, $0xF7A;
	s5 =	simm.s32 @!p2 $0x0  }
0x1d: {  	s5 =	simm.s32 @p1 $0x1;
	p0 =	seq.s32 s7, s2  }
0x1e: {  	s7 =	smul.u32 @!p0 $0xF7A, s2;
	p2 =	seq.s32 @!p0 s5, $0x0  }
0x1f: {  	s9 =	smul.u32 $0xF7A, s1;
	s8 =	simm.s32 @!p0 $0x1BF5;
	p2 =	por !p2, p0  }
0x20: {  	[sflag:s8] =	ssyncset.s32 @!p0 $0xFFFFF086;
	s6 =	sadd.s32 @!p0 s3, s7;
	s7 =	simm.s32 @!p0 $0x108  }
0x21: {  	s3 =	sadd.s32 s3, s9;
	s6 =	sadd.s32 @!p0 $0x88, s6;
	s7 =	simm.s32 @p2 $0x1082  }
0x22: {  	[simem:s7], [sflag:s8] =	dma.local @!p0 [hbm:s6], $0xF7A  }
0x23: {  	s9 =	sor.u32 $0xD0000000, s2;
	s6 =	simm.s32 $0x108;
	_ =	swait.ge @!p0 [sflag:s8], $0x0  }
0x24: {  	s3 =	sadd.s32 $0x88, s3;
	s6 =	simm.s32 @!p1 $0x1082;
	[sflag:s4] =	ssyncset.s32 $0xFFFFF086  }
0x25: {  	[simem:s6], [sflag:s4] =	dma.local [hbm:s3], $0xF7A  }
0x26: {  	[smem:$0x3F92] =	sst s1;
	(tag) =	ssettag s2;
	_ =	strace s9  }
0x27: {  	s1 =	sld [smem:$0x3FA2]  }
0x28: {  	s2 =	sld [smem:$0x3FA3]  }
0x29: {  	s4 =	sld [smem:$0x3FA5]  }
0x2a: {  	p0 =	seq.s32 s5, $0x0;
	s5 =	sld [smem:$0x3FA6]  }
0x2b: {  	s6 =	sld [smem:$0x3FA7]  }
0x2c: {  	s7 =	sld [smem:$0x3FA8]  }
0x2d: {  	s3 =	simm.s32 $0x108;
	s8 =	sld [smem:$0x3FA9]  }
0x2e: {  	s3 =	simm.s32 @!p0 $0x1082;
	s9 =	sld [smem:$0x3FAA]  }
0x2f: {  	lr =	sadd.s32 s0, s3;
	s0 =	sld [smem:$0x3FA1]  }
0x30: {  	s3 =	sld [smem:$0x3FA4]  }
0x31: {  	[smem:$0x3FAD] =	sst s10  }
0x32: {  	s10 =	sld [smem:$0x3FAB];
	_ =	sdelay $0x3  }
0x33: {  	p0 =	seq.s32 s10, $0x1;
	s10 =	sld [smem:$0x3FAD];
	_ =	sdelay $0x3  }
0x34: {  	[smem:$0x3FAD] =	sst s10  }
0x35: {  	s10 =	sld [smem:$0x3FAC];
	_ =	sdelay $0x3  }
0x36: {  	p1 =	seq.s32 s10, $0x1;
	s10 =	sld [smem:$0x3FAD];
	_ =	sdelay $0x3  }
0x37: {  	[smem:$0x3FAD] =	sst s10  }
0x38: {  	s10 =	sld [smem:$0x3FAE]  }
0x39: {  	_ = 	snop;
	(pc) =	sbr.ind lr, $3  }
0x3a: {  	_ = 	snop  }
0x3b: {  	_ = 	snop  }
0x3c: {  	p2 =	seq.s32 s10, $0x1;
	s10 =	sld [smem:$0x3FAD]  }
0x3d: {  	_ =	shalt  }
0x3e: {  	_ =	shalt  }
0x3f: {  	_ =	shalt  }
0x40: {  	_ =	shalt  }
0x41: {  	_ =	shalt  }
0x42: {  	_ =	shalt  }
0x43: {  	_ =	shalt  }
0x44: {  	_ =	shalt  }
0x45: {  	_ =	shalt  }
0x46: {  	_ =	shalt  }
0x47: {  	_ =	shalt  }
0x48: {  	_ =	shalt  }
0x49: {  	_ =	shalt  }
0x4a: {  	_ =	shalt  }
0x4b: {  	_ =	shalt  }
0x4c: {  	_ =	shalt  }
0x4d: {  	_ =	shalt  }
0x4e: {  	_ =	shalt  }
0x4f: {  	_ =	shalt  }
0x50: {  	_ =	shalt  }
0x51: {  	_ =	shalt  }
0x52: {  	_ =	shalt  }
0x53: {  	_ =	shalt  }
0x54: {  	_ =	shalt  }
0x55: {  	_ =	shalt  }
0x56: {  	_ =	shalt  }
0x57: {  	_ =	shalt  }
0x58: {  	_ =	shalt  }
0x59: {  	_ =	shalt  }
0x5a: {  	_ =	shalt  }
0x5b: {  	_ =	shalt  }
0x5c: {  	_ =	shalt  }
0x5d: {  	_ =	shalt  }
0x5e: {  	_ =	shalt  }
0x5f: {  	_ =	shalt  }
0x60: {  	_ =	shalt  }
0x61: {  	_ =	shalt  }
0x62: {  	_ =	shalt  }
0x63: {  	_ =	shalt  }
0x64: {  	_ =	shalt  }
0x65: {  	_ =	shalt  }
0x66: {  	_ =	shalt  }
0x67: {  	_ =	shalt  }
0x68: {  	_ =	shalt  }
0x69: {  	_ =	shalt  }
0x6a: {  	_ =	shalt  }
0x6b: {  	_ =	shalt  }
0x6c: {  	_ =	shalt  }
0x6d: {  	_ =	shalt  }
0x6e: {  	_ =	shalt  }
0x6f: {  	_ =	shalt  }
0x70: {  	_ =	shalt  }
0x71: {  	_ =	shalt  }
0x72: {  	_ =	shalt  }
0x73: {  	_ =	shalt  }
0x74: {  	_ =	shalt  }
0x75: {  	_ =	shalt  }
0x76: {  	_ =	shalt  }
0x77: {  	_ =	shalt  }
0x78: {  	_ =	shalt  }
0x79: {  	_ =	shalt  }
0x7a: {  	_ =	shalt  }
0x7b: {  	_ =	shalt  }
0x7c: {  	_ =	shalt  }
0x7d: {  	_ =	shalt  }
0x7e: {  	_ =	shalt  }
0x7f: {  	_ =	shalt  }
0x80: {  	_ =	shalt  }
0x81: {  	_ =	shalt  }
0x82: {  	_ =	shalt  }
0x83: {  	_ =	shalt  }
0x84: {  	_ =	shalt  }
0x85: {  	_ =	shalt  }
0x86: {  	_ =	shalt  }
0x87: {  	_ =	shalt  }
.Lfunc_end0:
.L_simem_size_0:
called_computation_lowered:
.L_overlay_start_0:
0x88: {  	s2 =	sld [smem:$0x3FD9]  }
0x89: {  	s3 =	sld [smem:$0x3FFE];
	_ =	sdelay $0x1  }
0x8a: {  	s1 =	srdreg.scid  }
0x8b: {  	s0 =	sand.u32 $0x1, s1  }
0x8c: {  	s17 =	sshll.u32 s0, $0xA;
	s2 =	sadd.s32 s3, s2  }
0x8d: {  	s2 =	sadd.s32 s2, s17  }
0x8e: {  	[smem:$0x3FB9] =	sst s2  }
0x8f: {  	_ = 	snop  }
0x90: {  	s2 =	sld [smem:$0x3FC8]  }
0x91: {  	s18 =	sld [smem:$0x3FC7]  }
0x92: {  	s4 =	sld [smem:$0x3FD0];
	(tm) =	ssettm $0x1  }
0x93: {  	s5 =	sld [smem:$0x3FFB];
	_ =	sdelay $0x3  }
0x94: {  	_ =	strace s5  }
0x95: {  	s5 =	sld [smem:$0x3FFC];
	_ =	sdelay $0x3  }
0x96: {  	_ =	strace s5  }
0x97: {  	s5 =	sld [smem:$0x3FFD];
	_ =	sdelay $0x3  }
0x98: {  	_ =	strace s5  }
0x99: {  	_ =	strace $0x8FFFFFFF  }
0x9a: {  	s19 =	sld [smem:$0x3FDB];
	_ =	sdelay $0x1  }
0x9b: {  	s6 =	simm.s32 $_scs_section_size  }
0x9c: {  	s7 =	simm.s32 $_size__tile_overlayer_lowered;
	s8 =	simm.s32 $_tile_overlayer_lowered  }
0x9d: {  	s22 =	simm.s32 $0x1BFF;
	s21 =	sshll.u32 s8, $0x1;
	s5 =	sadd.s32 s6, s19  }
0x9e: {  	s9 =	simm.s32 $0x0;
	s20 =	sshll.u32 s7, $0x1;
	s7 =	sadd.s32 s21, s5  }
0x9f: {  	[timem:s9], [sflag:s22] =	dma.local [hbm:s7], s20  }
0xa0: {  	_ =	swait.ge [sflag:s22], s20  }
0xa1: {  	s6 =	ssub.s32 $0x0, s20;
	[sflag:s22] =	ssyncset.done $0x0  }
0xa2: {  	[sflag:s22] =	ssyncadd.s32 s6;
	_ =	sdelay $0x1  }
0xa3: {  	s23 =	simm.s32 $0x1B8B  }
0xa4: {  	_ =	swait.ge [sflag:s23], $0x1  }
0xa5: {  	[sflag:s23] =	ssyncset.done $0x0  }
0xa6: {  	s25 =	simm.s32 $0x1B8E;
	s24 =	sld [smem:$0x3FFE];
	[sflag:s23] =	ssyncadd.s32 $0xFFFFFFFF  }
0xa7: {  	s26 =	simm.s32 $execute0_lowered;
	[smem:$0x3FD2] =	sst s25  }
0xa8: {  	s7 =	sshll.u32 s26, $0x1;
	_ =	strace $0x80000046;
	[dreg:$0x1] =	wrdreg $0xFFFFFFFF  }
0xa9: {  	s28 =	simm.s32 $_size_execute0_lowered;
	s5 =	sadd.s32 s5, s7;
	[dreg:$0x0] =	wrdreg $0x0  }
0xaa: {  	s7 =	sshll.u32 s28, $0x1;
	[dreg:$0x2] =	wrdreg s5  }
0xab: {  	[dreg:$0x3] =	wrdreg s7  }
0xac: {  	[dreg:$0x4] =	wrdreg $0xC0  }
0xad: {  	_ =	task [dreg:s9], $0x5FFFF  }
0xae: {  	[dreg:$0x1] =	wrdreg $0xFFFFFFFF  }
0xaf: {  	[dreg:$0x0] =	wrdreg $0x60  }
0xb0: {  	[dreg:$0x2] =	wrdreg s24  }
0xb1: {  	[dreg:$0x3] =	wrdreg s2  }
0xb2: {  	[dreg:$0x4] =	wrdreg s18  }
0xb3: {  	[dreg:$0x5] =	wrdreg s4  }
0xb4: {  	[dreg:$0x6] =	wrdreg $0x9  }
0xb5: {  	_ =	task.clear_ibuf [dreg:s9], $0x7FFFF;
	_ =	strace $0x90000046  }
0xb6: {  	s29 =	simm.s32 $0x9;
	_ =	strace $0x80000048  }
0xb7: {  	_ =	swait.ge [sflag:s29], $0x1  }
0xb8: {  	[sflag:s29] =	ssyncadd.s32 $0xFFFFFFFF  }
0xb9: {  	_ =	strace $0x90000048  }
0xba: {  	_ =	sfence  }
0xbb: {  	s30 =	sld [smem:$0x0];
	_ =	sdelay $0x2  }
0xbc: {  	s31 =	sshll.u32 s1, $0xD;
	s1 =	sshrl.u32 s1, $0x2  }
0xbd: {  	s3 =	sand.u32 $0x4000, s31;
	s1 =	sadd.s32 s1, s30  }
0xbe: {  	s0 =	sor.u32 s3, s0;
	s1 =	sshll.u32 s1, $0x11  }
0xbf: {  	s0 =	sor.u32 s1, s0  }
0xc0: {  	s0 =	sadd.s32 $0x8F2B, s0  }
0xc1: {  	[sflag:s0] =	ssyncadd.remote.s32 $0x1  }
0xc2: {  	_ =	sfence.sel $0xFFFF  }
0xc3: {  	[dreg:$0x0] =	wrdreg $0xFFFFFFFF;
	(pc) =	sbr.abs _section_cstart, $3  }
0xc4: {  	[dreg:$0x1] =	wrdreg $0xFFFFFFFF  }
0xc5: {  	_ =	task.clear_ibuf [dreg:s9], $0x2FFFF;
	_ =	strace $0x9FFFFFFF  }
0xc6: {  	(tm) =	ssettm $0x7FFFFFFF  }
0xc7: {  	_ =	shalt  }
tec
execute0_lowered:
.L_overlay_start_1:
0x0: {  	(tag) =	ssettag $0x1  }
0x1: {  	s20 =	rddreg [dreg:$0x0]  }
0x2: {  	s2 =	srdreg.scid;
	s0 =	stileid.u32  }
0x3: {  	s1 =	rddreg [dreg:$0x1];
	s25 =	sand.u32 $0x1, s2;
	s31 =	sshll.u32 s0, $0x1  }
0x4: {  	s3 =	rddreg [dreg:$0x2];
	s16 =	sor.u32 s25, s31  }
0x5: {  	s18 =	rddreg [dreg:$0x3];
	s4 =	simm.s32 $0x0;
	s5 =	sshll.u32 s16, $0x5  }
0x6: {  	s6 =	simm.s32 $0x9;
	[smem:$0x7FF] =	sst s4;
	s10 =	sadd.s32 s5, s20  }
0x7: {  	s2 =	rddreg [dreg:$0x4];
	_ =	strace $0x80000047;
	s5 =	sadd.s32 $0x4000, s10  }
0x8: {  	[tilespmem:s4], [sflag:$0x9] =	stream.linear.gather [hbm4b:s5+s4], $0x100, $0x38;
	[tilespmem:$0x10200] =	vst v63  }
0x9: {  	_ =	swait.ge [sflag:s6], $0x100  }
0xa: {  	[sflag:s6] =	ssyncset.done $0x0  }
0xb: {  	s7 =	simm.s32 $0x80;
	s8 =	simm.s32 $0x200;
	[sflag:s6] =	ssyncadd.s32 $0xFFFFFF00  }
0xc: {  	[tilespmem:s8], [sflag:$0x1] =	stream.indirect.gather [hbm4b:s1+s7], $0x80, s4, s7, $0xb8;
	[tilespmem:$0x10200] =	vst v63  }
0xd: {  	s9 =	simm.s32 $0x4200  }
0xe: {  	[tilespmem:s9], [sflag:$0x2] =	stream.indirect.gather [hbm4b:s1+s7], $0x80, s7, s7, $0xb8;
	[tilespmem:$0x10200] =	vst v63  }
0xf: {  	s11 =	simm.s32 $0x100;
	s10 =	sadd.s32 $0x3C00, s10  }
0x10: {  	[tilespmem:s11], [sflag:$0x9] =	stream.linear.gather [hbm4b:s10+s4], $0x100, $0x38;
	[tilespmem:$0x10200] =	vst v63  }
0x11: {  	_ =	swait.ge [sflag:s6], $0x100  }
0x12: {  	[sflag:s6] =	ssyncset.done $0x0  }
0x13: {  	s12 =	simm.s32 $0x8200;
	[sflag:s6] =	ssyncadd.s32 $0xFFFFFF00  }
0x14: {  	[tilespmem:s12], [sflag:$0x3] =	stream.indirect.gather [hbm4b:s3+s7], $0x80, s11, s7, $0xb8;
	[tilespmem:$0x10200] =	vst v63  }
0x15: {  	s13 =	simm.s32 $0x180;
	s14 =	simm.s32 $0xC200;
	s15 =	simm.s32 $0x1  }
0x16: {  	[tilespmem:s14], [sflag:$0x4] =	stream.indirect.gather [hbm4b:s3+s7], $0x80, s13, s7, $0xb8;
	[tilespmem:$0x10200] =	vst v63  }
0x17: {  	_ =	swait.ge [sflag:s15], $0x4000  }
0x18: {  	s21 =	sshll.u32 s16, $0xC;
	[sflag:s15] =	ssyncset.done $0x0  }
0x19: {  	s17 =	simm.s32 $0x2;
	s16 =	sadd.s32 s18, s21;
	[sflag:s15] =	ssyncadd.s32 $0xFFFFC000  }
0x1a: {  	[hbm4b:s16+s4] =	stream.linear.scatter [tilespmem:s8], [sflag:$0x5], $0x4000, $0x38;
	[tilespmem:$0x10200] =	vst v63  }
0x1b: {  	_ =	swait.ge [sflag:s17], $0x4000  }
0x1c: {  	s22 =	sor.u32 $0x800, s21;
	[sflag:s17] =	ssyncset.done $0x0  }
0x1d: {  	s19 =	simm.s32 $0x3;
	s18 =	sadd.s32 s18, s22;
	[sflag:s17] =	ssyncadd.s32 $0xFFFFC000  }
0x1e: {  	[hbm4b:s18+s4] =	stream.linear.scatter [tilespmem:s9], [sflag:$0x6], $0x4000, $0x38;
	[tilespmem:$0x10200] =	vst v63  }
0x1f: {  	_ =	swait.ge [sflag:s19], $0x4000  }
0x20: {  	s23 =	sadd.s32 $0x4400, s20;
	[sflag:s19] =	ssyncset.done $0x0  }
0x21: {  	s20 =	sadd.s32 s23, s21;
	s21 =	simm.s32 $0x4;
	[sflag:s19] =	ssyncadd.s32 $0xFFFFC000  }
0x22: {  	[hbm4b:s20+s4] =	stream.linear.scatter [tilespmem:s12], [sflag:$0x7], $0x4000, $0x38;
	[tilespmem:$0x10200] =	vst v63  }
0x23: {  	_ =	swait.ge [sflag:s21], $0x4000  }
0x24: {  	[sflag:s21] =	ssyncset.done $0x0  }
0x25: {  	s22 =	sadd.s32 s23, s22;
	s23 =	simm.s32 $0x5;
	[sflag:s21] =	ssyncadd.s32 $0xFFFFC000  }
0x26: {  	[hbm4b:s22+s4] =	stream.linear.scatter [tilespmem:s14], [sflag:$0x8], $0x4000, $0x38;
	[tilespmem:$0x10200] =	vst v63  }
0x27: {  	_ =	swait.ge [sflag:s23], $0x4000  }
0x28: {  	s26 =	ssub.s32 $0x2, s25;
	[sflag:s23] =	ssyncset.done $0x0  }
0x29: {  	s24 =	simm.s32 $0x6;
	s28 =	sshrl.u32 s26, $0x1;
	[sflag:s23] =	ssyncadd.s32 $0xFFFFC000  }
0x2a: {  	s26 =	ssub.s32 s26, s28;
	_ =	swait.ge [sflag:s24], $0x4000  }
0x2b: {  	s28 =	smax.u32 s26, $0x1;
	[sflag:s24] =	ssyncset.done $0x0  }
0x2c: {  	s25 =	simm.s32 $0x7;
	p0 =	sne.s32 s28, $0x1;
	[sflag:s24] =	ssyncadd.s32 $0xFFFFC000  }
.Ltmp0:
0x2d: {  	_ =	swait.ge [sflag:s25], $0x4000;
	(pc) =	sbr.rel @!p0 .LBB2_2-.Ltmp0, $4  }
0x2e: {  	[sflag:s25] =	ssyncset.done $0x0  }
0x2f: {  	s26 =	simm.s32 $0x8;
	[sflag:s25] =	ssyncadd.s32 $0xFFFFC000  }
0x30: {  	_ =	swait.ge [sflag:s26], $0x4000  }
0x31: {  	s28 =	sadd.s32 $0xFFFFFFFF, s28;
	[sflag:s26] =	ssyncset.done $0x0  }
.LBB2_1:
0x32: {  	p0 =	sne.s32 s28, $0x1;
	s28 =	sadd.s32 $0xFFFFFFFF, s28;
	[sflag:s26] =	ssyncadd.s32 $0xFFFFC000  }
0x33: {  	[tilespmem:s4], [sflag:$0x9] =	stream.linear.gather [hbm4b:s5+s4], $0x100, $0x38;
	[tilespmem:$0x10200] =	vst v63  }
0x34: {  	_ =	swait.ge [sflag:s6], $0x100  }
0x35: {  	[sflag:s6] =	ssyncset.done $0x0  }
0x36: {  	[sflag:s6] =	ssyncadd.s32 $0xFFFFFF00  }
0x37: {  	[tilespmem:s8], [sflag:$0x1] =	stream.indirect.gather [hbm4b:s1+s7], $0x80, s4, s7, $0xb8;
	[tilespmem:$0x10200] =	vst v63  }
0x38: {  	_ = 	snop  }
0x39: {  	[tilespmem:s9], [sflag:$0x2] =	stream.indirect.gather [hbm4b:s1+s7], $0x80, s7, s7, $0xb8;
	[tilespmem:$0x10200] =	vst v63  }
0x3a: {  	_ = 	snop  }
0x3b: {  	[tilespmem:s11], [sflag:$0x9] =	stream.linear.gather [hbm4b:s10+s4], $0x100, $0x38;
	[tilespmem:$0x10200] =	vst v63  }
0x3c: {  	_ =	swait.ge [sflag:s6], $0x100  }
0x3d: {  	[sflag:s6] =	ssyncset.done $0x0  }
0x3e: {  	[sflag:s6] =	ssyncadd.s32 $0xFFFFFF00  }
0x3f: {  	[tilespmem:s12], [sflag:$0x3] =	stream.indirect.gather [hbm4b:s3+s7], $0x80, s11, s7, $0xb8;
	[tilespmem:$0x10200] =	vst v63  }
0x40: {  	_ = 	snop  }
0x41: {  	[tilespmem:s14], [sflag:$0x4] =	stream.indirect.gather [hbm4b:s3+s7], $0x80, s13, s7, $0xb8;
	[tilespmem:$0x10200] =	vst v63  }
0x42: {  	_ =	swait.ge [sflag:s15], $0x4000  }
0x43: {  	[sflag:s15] =	ssyncset.done $0x0  }
0x44: {  	[sflag:s15] =	ssyncadd.s32 $0xFFFFC000  }
0x45: {  	[hbm4b:s16+s4] =	stream.linear.scatter [tilespmem:s8], [sflag:$0x5], $0x4000, $0x38;
	[tilespmem:$0x10200] =	vst v63  }
0x46: {  	_ =	swait.ge [sflag:s17], $0x4000  }
0x47: {  	[sflag:s17] =	ssyncset.done $0x0  }
0x48: {  	[sflag:s17] =	ssyncadd.s32 $0xFFFFC000  }
0x49: {  	[hbm4b:s18+s4] =	stream.linear.scatter [tilespmem:s9], [sflag:$0x6], $0x4000, $0x38;
	[tilespmem:$0x10200] =	vst v63  }
0x4a: {  	_ =	swait.ge [sflag:s19], $0x4000  }
0x4b: {  	[sflag:s19] =	ssyncset.done $0x0  }
0x4c: {  	[sflag:s19] =	ssyncadd.s32 $0xFFFFC000  }
0x4d: {  	[hbm4b:s20+s4] =	stream.linear.scatter [tilespmem:s12], [sflag:$0x7], $0x4000, $0x38;
	[tilespmem:$0x10200] =	vst v63  }
0x4e: {  	_ =	swait.ge [sflag:s21], $0x4000  }
0x4f: {  	[sflag:s21] =	ssyncset.done $0x0  }
0x50: {  	[sflag:s21] =	ssyncadd.s32 $0xFFFFC000  }
0x51: {  	[hbm4b:s22+s4] =	stream.linear.scatter [tilespmem:s14], [sflag:$0x8], $0x4000, $0x38;
	[tilespmem:$0x10200] =	vst v63  }
0x52: {  	_ =	swait.ge [sflag:s23], $0x4000  }
0x53: {  	[sflag:s23] =	ssyncset.done $0x0  }
0x54: {  	[sflag:s23] =	ssyncadd.s32 $0xFFFFC000  }
0x55: {  	_ =	swait.ge [sflag:s24], $0x4000  }
0x56: {  	[sflag:s24] =	ssyncset.done $0x0  }
0x57: {  	[sflag:s24] =	ssyncadd.s32 $0xFFFFC000  }
.Ltmp1:
0x58: {  	_ =	swait.ge [sflag:s25], $0x4000;
	(pc) =	sbr.rel @p0 .LBB2_1-.Ltmp1, $4  }
0x59: {  	[sflag:s25] =	ssyncset.done $0x0  }
0x5a: {  	[sflag:s25] =	ssyncadd.s32 $0xFFFFC000  }
0x5b: {  	_ =	swait.ge [sflag:s26], $0x4000  }
0x5c: {  	[sflag:s26] =	ssyncset.done $0x0  }
.LBB2_2:
0x5d: {  	[sflag:s26] =	ssyncadd.s32 $0xFFFFC000  }
0x5e: {  	_ =	sfence.sel $0x180000  }
0x5f: {  	[bflag:$0x0] =	sbarrier.arrive $0xFFFF  }
0x60: {  	p0 =	sne.s32 s0, $0x0;
	_ =	strace $0x90000047  }
0x61: {  	s0 =	sadd.s32 @!p0 $0x100000, s2;
	[bflag:$0x2] =	sbarrier.arrive $0xFFFF  }
0x62: {  	[sflag:s0] =	ssyncadd.tile.s32 @!p0 $0x1;
	_ =	shalt  }
.Lfunc_end2:
_tile_overlayer_lowered:
.L_overlay_start_2:
0x63: {  	(tag) =	ssettag $0x2  }
0x64: {  	s0 =	rddreg [dreg:$0x0];
	s2 =	stileid.u32  }
0x65: {  	s1 =	rddreg [dreg:$0x1];
	p0 =	sne.s32 s2, $0x0  }
0x66: {  	s3 =	rddreg [dreg:$0x2];
	[bflag:$0x3] =	sbarrier.arrive $0xFFFF;
	s2 =	simm.s32 @!p0 $0x1C09  }
0x67: {  	[timem:s3], [sflag:s2] =	dma.local @!p0 [hbm:s0], s1  }
0x68: {  	s0 =	simm.s32 @!p0 $0x9  }
0x69: {  	_ =	swait.ge @!p0 [sflag:s0], s1  }
0x6a: {  	s1 =	ssub.s32 @!p0 $0x0, s1;
	[sflag:s0] =	ssyncset.done @!p0 $0x0  }
0x6b: {  	[sflag:s0] =	ssyncadd.s32 @!p0 s1  }
0x6c: {  	[bflag:$0x3] =	sbarrier.arrive $0xFFFF  }
0x6d: {  	_ =	shalt  }

// kernel: kernel.9.cloned.1.call-start
scs
__scs_entry_jumppad:
0x0: {  	(pc) =	sbr.rel $0x88, $3  }
0x1: {  	(tag) =	ssettag $0x0;
	lr =	simm.s32 $0x1  }
0x2: {  	[smem:$0x3F92] =	sst lr;
	_ =	strace $0xD0000000  }
0x3: {  	_ = 	snop  }
0x4: {  	_ = 	snop  }
0x5: {  	_ = 	snop  }
0x6: {  	_ = 	snop  }
0x7: {  	_ = 	snop  }
__scs_overlays_trampoline_lowered:
0x8: {  	[smem:$0x3FA1] =	sst s0  }
0x9: {  	[smem:$0x3FA2] =	sst s1  }
0xa: {  	[smem:$0x3FA3] =	sst s2  }
0xb: {  	[smem:$0x3FA4] =	sst s3  }
0xc: {  	[smem:$0x3FA5] =	sst s4  }
0xd: {  	[smem:$0x3FA6] =	sst s5  }
0xe: {  	[smem:$0x3FA7] =	sst s6  }
0xf: {  	[smem:$0x3FA8] =	sst s7  }
0x10: {  	[smem:$0x3FA9] =	sst s8  }
0x11: {  	[smem:$0x3FAA] =	sst s9;
	s0 =	simm.s32 @!p0 $0x0  }
0x12: {  	s1 =	sld [smem:$0x3F90];
	s0 =	simm.s32 @p0 $0x1  }
0x13: {  	[smem:$0x3FAB] =	sst s0;
	s0 =	simm.s32 @!p1 $0x0  }
0x14: {  	s2 =	sld [smem:$0x3F8F];
	s0 =	simm.s32 @p1 $0x1  }
0x15: {  	[smem:$0x3FAC] =	sst s0;
	s0 =	simm.s32 @!p2 $0x0  }
0x16: {  	s3 =	sld [smem:$0x3FDB];
	s0 =	simm.s32 @p2 $0x1  }
0x17: {  	s4 =	simm.s32 $0x1BF5;
	[smem:$0x3FAE] =	sst s0  }
0x18: {  	s0 =	sld [smem:$0x3F91];
	_ =	swait.ge [sflag:s4], $0x0  }
0x19: {  	s7 =	sld [smem:$0x3F92]  }
0x1a: {  	s8 =	sadd.s32 $0xFFFFE003, lr  }
0x1b: {  	s9 =	sadd.s32 $0xFFFFFEF7, lr;
	s5 =	simm.s32 $0xFFFFFFFF;
	p2 =	slt.u32 s8, $0xFFFFF086  }
0x1c: {  	p1 =	slt.u32 s9, $0xF7A;
	s5 =	simm.s32 @!p2 $0x0  }
0x1d: {  	s5 =	simm.s32 @p1 $0x1;
	p0 =	seq.s32 s7, s2  }
0x1e: {  	s7 =	smul.u32 @!p0 $0xF7A, s2;
	p2 =	seq.s32 @!p0 s5, $0x0  }
0x1f: {  	s9 =	smul.u32 $0xF7A, s1;
	s8 =	simm.s32 @!p0 $0x1BF5;
	p2 =	por !p2, p0  }
0x20: {  	[sflag:s8] =	ssyncset.s32 @!p0 $0xFFFFF086;
	s6 =	sadd.s32 @!p0 s3, s7;
	s7 =	simm.s32 @!p0 $0x108  }
0x21: {  	s3 =	sadd.s32 s3, s9;
	s6 =	sadd.s32 @!p0 $0x88, s6;
	s7 =	simm.s32 @p2 $0x1082  }
0x22: {  	[simem:s7], [sflag:s8] =	dma.local @!p0 [hbm:s6], $0xF7A  }
0x23: {  	s9 =	sor.u32 $0xD0000000, s2;
	s6 =	simm.s32 $0x108;
	_ =	swait.ge @!p0 [sflag:s8], $0x0  }
0x24: {  	s3 =	sadd.s32 $0x88, s3;
	s6 =	simm.s32 @!p1 $0x1082;
	[sflag:s4] =	ssyncset.s32 $0xFFFFF086  }
0x25: {  	[simem:s6], [sflag:s4] =	dma.local [hbm:s3], $0xF7A  }
0x26: {  	[smem:$0x3F92] =	sst s1;
	(tag) =	ssettag s2;
	_ =	strace s9  }
0x27: {  	s1 =	sld [smem:$0x3FA2]  }
0x28: {  	s2 =	sld [smem:$0x3FA3]  }
0x29: {  	s4 =	sld [smem:$0x3FA5]  }
0x2a: {  	p0 =	seq.s32 s5, $0x0;
	s5 =	sld [smem:$0x3FA6]  }
0x2b: {  	s6 =	sld [smem:$0x3FA7]  }
0x2c: {  	s7 =	sld [smem:$0x3FA8]  }
0x2d: {  	s3 =	simm.s32 $0x108;
	s8 =	sld [smem:$0x3FA9]  }
0x2e: {  	s3 =	simm.s32 @!p0 $0x1082;
	s9 =	sld [smem:$0x3FAA]  }
0x2f: {  	lr =	sadd.s32 s0, s3;
	s0 =	sld [smem:$0x3FA1]  }
0x30: {  	s3 =	sld [smem:$0x3FA4]  }
0x31: {  	[smem:$0x3FAD] =	sst s10  }
0x32: {  	s10 =	sld [smem:$0x3FAB];
	_ =	sdelay $0x3  }
0x33: {  	p0 =	seq.s32 s10, $0x1;
	s10 =	sld [smem:$0x3FAD];
	_ =	sdelay $0x3  }
0x34: {  	[smem:$0x3FAD] =	sst s10  }
0x35: {  	s10 =	sld [smem:$0x3FAC];
	_ =	sdelay $0x3  }
0x36: {  	p1 =	seq.s32 s10, $0x1;
	s10 =	sld [smem:$0x3FAD];
	_ =	sdelay $0x3  }
0x37: {  	[smem:$0x3FAD] =	sst s10  }
0x38: {  	s10 =	sld [smem:$0x3FAE]  }
0x39: {  	_ = 	snop;
	(pc) =	sbr.ind lr, $3  }
0x3a: {  	_ = 	snop  }
0x3b: {  	_ = 	snop  }
0x3c: {  	p2 =	seq.s32 s10, $0x1;
	s10 =	sld [smem:$0x3FAD]  }
0x3d: {  	_ =	shalt  }
0x3e: {  	_ =	shalt  }
0x3f: {  	_ =	shalt  }
0x40: {  	_ =	shalt  }
0x41: {  	_ =	shalt  }
0x42: {  	_ =	shalt  }
0x43: {  	_ =	shalt  }
0x44: {  	_ =	shalt  }
0x45: {  	_ =	shalt  }
0x46: {  	_ =	shalt  }
0x47: {  	_ =	shalt  }
0x48: {  	_ =	shalt  }
0x49: {  	_ =	shalt  }
0x4a: {  	_ =	shalt  }
0x4b: {  	_ =	shalt  }
0x4c: {  	_ =	shalt  }
0x4d: {  	_ =	shalt  }
0x4e: {  	_ =	shalt  }
0x4f: {  	_ =	shalt  }
0x50: {  	_ =	shalt  }
0x51: {  	_ =	shalt  }
0x52: {  	_ =	shalt  }
0x53: {  	_ =	shalt  }
0x54: {  	_ =	shalt  }
0x55: {  	_ =	shalt  }
0x56: {  	_ =	shalt  }
0x57: {  	_ =	shalt  }
0x58: {  	_ =	shalt  }
0x59: {  	_ =	shalt  }
0x5a: {  	_ =	shalt  }
0x5b: {  	_ =	shalt  }
0x5c: {  	_ =	shalt  }
0x5d: {  	_ =	shalt  }
0x5e: {  	_ =	shalt  }
0x5f: {  	_ =	shalt  }
0x60: {  	_ =	shalt  }
0x61: {  	_ =	shalt  }
0x62: {  	_ =	shalt  }
0x63: {  	_ =	shalt  }
0x64: {  	_ =	shalt  }
0x65: {  	_ =	shalt  }
0x66: {  	_ =	shalt  }
0x67: {  	_ =	shalt  }
0x68: {  	_ =	shalt  }
0x69: {  	_ =	shalt  }
0x6a: {  	_ =	shalt  }
0x6b: {  	_ =	shalt  }
0x6c: {  	_ =	shalt  }
0x6d: {  	_ =	shalt  }
0x6e: {  	_ =	shalt  }
0x6f: {  	_ =	shalt  }
0x70: {  	_ =	shalt  }
0x71: {  	_ =	shalt  }
0x72: {  	_ =	shalt  }
0x73: {  	_ =	shalt  }
0x74: {  	_ =	shalt  }
0x75: {  	_ =	shalt  }
0x76: {  	_ =	shalt  }
0x77: {  	_ =	shalt  }
0x78: {  	_ =	shalt  }
0x79: {  	_ =	shalt  }
0x7a: {  	_ =	shalt  }
0x7b: {  	_ =	shalt  }
0x7c: {  	_ =	shalt  }
0x7d: {  	_ =	shalt  }
0x7e: {  	_ =	shalt  }
0x7f: {  	_ =	shalt  }
0x80: {  	_ =	shalt  }
0x81: {  	_ =	shalt  }
0x82: {  	_ =	shalt  }
0x83: {  	_ =	shalt  }
0x84: {  	_ =	shalt  }
0x85: {  	_ =	shalt  }
0x86: {  	_ =	shalt  }
0x87: {  	_ =	shalt  }
.Lfunc_end0:
.L_simem_size_0:
called_computation.1_lowered:
.L_overlay_start_0:
0x88: {  	s2 =	sld [smem:$0x3FD9]  }
0x89: {  	s3 =	sld [smem:$0x3FFE];
	_ =	sdelay $0x1  }
0x8a: {  	s1 =	srdreg.scid  }
0x8b: {  	s0 =	sand.u32 $0x1, s1  }
0x8c: {  	s17 =	sshll.u32 s0, $0xA;
	s2 =	sadd.s32 s3, s2  }
0x8d: {  	s2 =	sadd.s32 s2, s17  }
0x8e: {  	[smem:$0x3FB9] =	sst s2  }
0x8f: {  	_ = 	snop  }
0x90: {  	s18 =	sld [smem:$0x3FC8]  }
0x91: {  	s4 =	sld [smem:$0x3FC7];
	(tm) =	ssettm $0x1  }
0x92: {  	s19 =	sld [smem:$0x3FFB];
	_ =	sdelay $0x3  }
0x93: {  	_ =	strace s19  }
0x94: {  	s2 =	sld [smem:$0x3FFC];
	_ =	sdelay $0x3  }
0x95: {  	_ =	strace s2  }
0x96: {  	s2 =	sld [smem:$0x3FFD];
	_ =	sdelay $0x3  }
0x97: {  	_ =	strace s2  }
0x98: {  	_ =	strace $0x8FFFFFFF  }
0x99: {  	s20 =	sld [smem:$0x3FDB];
	_ =	sdelay $0x1  }
0x9a: {  	s5 =	simm.s32 $_scs_section_size  }
0x9b: {  	s6 =	simm.s32 $_size__tile_overlayer_lowered;
	s7 =	simm.s32 $_tile_overlayer_lowered  }
0x9c: {  	s8 =	simm.s32 $0x1BFF;
	s21 =	sshll.u32 s7, $0x1;
	s5 =	sadd.s32 s5, s20  }
0x9d: {  	s22 =	simm.s32 $0x0;
	s6 =	sshll.u32 s6, $0x1;
	s7 =	sadd.s32 s21, s5  }
0x9e: {  	[timem:s22], [sflag:s8] =	dma.local [hbm:s7], s6  }
0x9f: {  	_ =	swait.ge [sflag:s8], s6  }
0xa0: {  	s6 =	ssub.s32 $0x0, s6;
	[sflag:s8] =	ssyncset.done $0x0  }
0xa1: {  	[sflag:s8] =	ssyncadd.s32 s6;
	_ =	sdelay $0x1  }
0xa2: {  	s23 =	simm.s32 $0x1B8B  }
0xa3: {  	_ =	swait.ge [sflag:s23], $0x1  }
0xa4: {  	[sflag:s23] =	ssyncset.done $0x0  }
0xa5: {  	[sflag:s23] =	ssyncadd.s32 $0xFFFFFFFF  }
0xa6: {  	s6 =	sld [smem:$0x0]  }
0xa7: {  	s7 =	sand.u32 $0xFFFFFFFE, s1  }
0xa8: {  	p0 =	sne.s32 s1, s7  }
0xa9: {  	s7 =	sshll.u32 @p0 s7, $0xE  }
0xaa: {  	s7 =	sadd.s32 @p0 $0x11B8D, s7;
	s8 =	sshll.u32 @p0 s6, $0x11  }
0xab: {  	s7 =	sor.u32 @p0 s8, s7  }
0xac: {  	[sflag:s7] =	ssyncadd.remote.s32 @p0 $0x1;
	_ =	sdelay $0x1  }
0xad: {  	s7 =	simm.s32 @p0 $0x1B8D  }
0xae: {  	_ =	swait.eq @p0 [sflag:s7], $0x1  }
0xaf: {  	[sflag:s7] =	ssyncadd.s32 @p0 $0xFFFFFFFF  }
0xb0: {  	s8 =	sshll.u32 @!p0 s1, $0xE  }
0xb1: {  	s8 =	sor.u32 @!p0 $0x4000, s8;
	s7 =	simm.s32 @!p0 $0x1B8D  }
0xb2: {  	s6 =	sshll.u32 @!p0 s6, $0x11;
	s8 =	sadd.s32 @!p0 $0x11B8D, s8;
	_ =	swait.eq @!p0 [sflag:s7], $0x1  }
0xb3: {  	s6 =	sor.u32 @!p0 s6, s8;
	[sflag:s7] =	ssyncadd.s32 @!p0 $0xFFFFFFFF  }
0xb4: {  	s25 =	simm.s32 $0x1B8E;
	s24 =	sld [smem:$0x3FFE];
	[sflag:s6] =	ssyncadd.remote.s32 @!p0 $0x1  }
0xb5: {  	s26 =	simm.s32 $execute0_lowered;
	[smem:$0x3FD2] =	sst s25  }
0xb6: {  	s7 =	sshll.u32 s26, $0x1;
	_ =	strace $0x80000049;
	[dreg:$0x1] =	wrdreg $0xFFFFFFFF  }
0xb7: {  	s28 =	simm.s32 $_size_execute0_lowered;
	s5 =	sadd.s32 s5, s7;
	[dreg:$0x0] =	wrdreg $0x0  }
0xb8: {  	s7 =	sshll.u32 s28, $0x1;
	[dreg:$0x2] =	wrdreg s5  }
0xb9: {  	[dreg:$0x3] =	wrdreg s7  }
0xba: {  	[dreg:$0x4] =	wrdreg $0xC0  }
0xbb: {  	_ =	task [dreg:s22], $0x5FFFF  }
0xbc: {  	[dreg:$0x1] =	wrdreg $0xFFFFFFFF  }
0xbd: {  	[dreg:$0x0] =	wrdreg $0x60  }
0xbe: {  	[dreg:$0x2] =	wrdreg s24  }
0xbf: {  	[dreg:$0x3] =	wrdreg s18  }
0xc0: {  	[dreg:$0x4] =	wrdreg s4  }
0xc1: {  	[dreg:$0x5] =	wrdreg $0xA  }
0xc2: {  	_ =	task.clear_ibuf [dreg:s22], $0x6FFFF;
	_ =	strace $0x90000049  }
0xc3: {  	s29 =	simm.s32 $0xA;
	_ =	strace $0x8000004B  }
0xc4: {  	_ =	swait.ge [sflag:s29], $0x1  }
0xc5: {  	[sflag:s29] =	ssyncadd.s32 $0xFFFFFFFF  }
0xc6: {  	_ =	strace $0x9000004B  }
0xc7: {  	_ =	sfence  }
0xc8: {  	s30 =	sld [smem:$0x0];
	_ =	sdelay $0x2  }
0xc9: {  	s31 =	sshll.u32 s1, $0xD;
	s1 =	sshrl.u32 s1, $0x2  }
0xca: {  	s4 =	sand.u32 $0x4000, s31;
	s1 =	sadd.s32 s1, s30  }
0xcb: {  	s0 =	sor.u32 s4, s0;
	s1 =	sshll.u32 s1, $0x11  }
0xcc: {  	s0 =	sor.u32 s1, s0  }
0xcd: {  	s0 =	sadd.s32 $0x8F2B, s0  }
0xce: {  	[sflag:s0] =	ssyncadd.remote.s32 $0x1  }
0xcf: {  	_ =	sfence.sel $0xFFFF  }
0xd0: {  	[dreg:$0x0] =	wrdreg $0xFFFFFFFF;
	(pc) =	sbr.abs _section_cstart, $3  }
0xd1: {  	[dreg:$0x1] =	wrdreg $0xFFFFFFFF  }
0xd2: {  	_ =	task.clear_ibuf [dreg:s22], $0x2FFFF;
	_ =	strace $0x9FFFFFFF  }
0xd3: {  	(tm) =	ssettm $0x7FFFFFFF  }
tec
execute0_lowered:
.L_overlay_start_1:
0x0: {  	(tag) =	ssettag $0x1  }
0x1: {  	s1 =	srdreg.scid;
	s0 =	stileid.u32  }
0x2: {  	s20 =	rddreg [dreg:$0x0];
	s25 =	sand.u32 $0x1, s1;
	s31 =	sshll.u32 s0, $0x1  }
0x3: {  	s2 =	rddreg [dreg:$0x1];
	s16 =	sor.u32 s25, s31  }
0x4: {  	s3 =	rddreg [dreg:$0x2];
	s4 =	simm.s32 $0x0;
	s5 =	sshll.u32 s16, $0x5  }
0x5: {  	s6 =	simm.s32 $0x9;
	[smem:$0x7FF] =	sst s4;
	s10 =	sadd.s32 s5, s20  }
0x6: {  	s1 =	rddreg [dreg:$0x3];
	_ =	strace $0x8000004A;
	s5 =	sadd.s32 $0x24800, s10  }
0x7: {  	[tilespmem:s4], [sflag:$0x9] =	stream.linear.gather [hbm4b:s5+s4], $0x100, $0x38;
	[tilespmem:$0x10200] =	vst v63  }
0x8: {  	_ =	swait.ge [sflag:s6], $0x100  }
0x9: {  	[sflag:s6] =	ssyncset.done $0x0  }
0xa: {  	s7 =	simm.s32 $0x80;
	s8 =	simm.s32 $0x200;
	[sflag:s6] =	ssyncadd.s32 $0xFFFFFF00  }
0xb: {  	[tilespmem:s8], [sflag:$0x1] =	stream.indirect.gather [hbm4b:s2+s7], $0x80, s4, s7, $0xb8;
	[tilespmem:$0x10200] =	vst v63  }
0xc: {  	s9 =	simm.s32 $0x4200  }
0xd: {  	[tilespmem:s9], [sflag:$0x2] =	stream.indirect.gather [hbm4b:s2+s7], $0x80, s7, s7, $0xb8;
	[tilespmem:$0x10200] =	vst v63  }
0xe: {  	s11 =	simm.s32 $0x100;
	s10 =	sadd.s32 $0x24400, s10  }
0xf: {  	[tilespmem:s11], [sflag:$0x9] =	stream.linear.gather [hbm4b:s10+s4], $0x100, $0x38;
	[tilespmem:$0x10200] =	vst v63  }
0x10: {  	_ =	swait.ge [sflag:s6], $0x100  }
0x11: {  	[sflag:s6] =	ssyncset.done $0x0  }
0x12: {  	s12 =	simm.s32 $0x8200;
	[sflag:s6] =	ssyncadd.s32 $0xFFFFFF00  }
0x13: {  	[tilespmem:s12], [sflag:$0x3] =	stream.indirect.gather [hbm4b:s3+s7], $0x80, s11, s7, $0xb8;
	[tilespmem:$0x10200] =	vst v63  }
0x14: {  	s13 =	simm.s32 $0x180;
	s14 =	simm.s32 $0xC200;
	s15 =	simm.s32 $0x1  }
0x15: {  	[tilespmem:s14], [sflag:$0x4] =	stream.indirect.gather [hbm4b:s3+s7], $0x80, s13, s7, $0xb8;
	[tilespmem:$0x10200] =	vst v63  }
0x16: {  	_ =	swait.ge [sflag:s15], $0x4000  }
0x17: {  	s18 =	sadd.s32 $0x24C00, s20;
	s21 =	sshll.u32 s16, $0xC;
	[sflag:s15] =	ssyncset.done $0x0  }
0x18: {  	s17 =	simm.s32 $0x2;
	s16 =	sadd.s32 s18, s21;
	[sflag:s15] =	ssyncadd.s32 $0xFFFFC000  }
0x19: {  	[hbm4b:s16+s4] =	stream.linear.scatter [tilespmem:s8], [sflag:$0x5], $0x4000, $0x38;
	[tilespmem:$0x10200] =	vst v63  }
0x1a: {  	_ =	swait.ge [sflag:s17], $0x4000  }
0x1b: {  	s22 =	sor.u32 $0x800, s21;
	[sflag:s17] =	ssyncset.done $0x0  }
0x1c: {  	s19 =	simm.s32 $0x3;
	s18 =	sadd.s32 s18, s22;
	[sflag:s17] =	ssyncadd.s32 $0xFFFFC000  }
0x1d: {  	[hbm4b:s18+s4] =	stream.linear.scatter [tilespmem:s9], [sflag:$0x6], $0x4000, $0x38;
	[tilespmem:$0x10200] =	vst v63  }
0x1e: {  	_ =	swait.ge [sflag:s19], $0x4000  }
0x1f: {  	s23 =	sadd.s32 $0x44C00, s20;
	[sflag:s19] =	ssyncset.done $0x0  }
0x20: {  	s20 =	sadd.s32 s23, s21;
	s21 =	simm.s32 $0x4;
	[sflag:s19] =	ssyncadd.s32 $0xFFFFC000  }
0x21: {  	[hbm4b:s20+s4] =	stream.linear.scatter [tilespmem:s12], [sflag:$0x7], $0x4000, $0x38;
	[tilespmem:$0x10200] =	vst v63  }
0x22: {  	_ =	swait.ge [sflag:s21], $0x4000  }
0x23: {  	[sflag:s21] =	ssyncset.done $0x0  }
0x24: {  	s22 =	sadd.s32 s23, s22;
	s23 =	simm.s32 $0x5;
	[sflag:s21] =	ssyncadd.s32 $0xFFFFC000  }
0x25: {  	[hbm4b:s22+s4] =	stream.linear.scatter [tilespmem:s14], [sflag:$0x8], $0x4000, $0x38;
	[tilespmem:$0x10200] =	vst v63  }
0x26: {  	_ =	swait.ge [sflag:s23], $0x4000  }
0x27: {  	s26 =	ssub.s32 $0x2, s25;
	[sflag:s23] =	ssyncset.done $0x0  }
0x28: {  	s24 =	simm.s32 $0x6;
	s28 =	sshrl.u32 s26, $0x1;
	[sflag:s23] =	ssyncadd.s32 $0xFFFFC000  }
0x29: {  	s26 =	ssub.s32 s26, s28;
	_ =	swait.ge [sflag:s24], $0x4000  }
0x2a: {  	s28 =	smax.u32 s26, $0x1;
	[sflag:s24] =	ssyncset.done $0x0  }
0x2b: {  	s25 =	simm.s32 $0x7;
	p0 =	sne.s32 s28, $0x1;
	[sflag:s24] =	ssyncadd.s32 $0xFFFFC000  }
.Ltmp0:
0x2c: {  	_ =	swait.ge [sflag:s25], $0x4000;
	(pc) =	sbr.rel @!p0 .LBB2_2-.Ltmp0, $4  }
0x2d: {  	[sflag:s25] =	ssyncset.done $0x0  }
0x2e: {  	s26 =	simm.s32 $0x8;
	[sflag:s25] =	ssyncadd.s32 $0xFFFFC000  }
0x2f: {  	_ =	swait.ge [sflag:s26], $0x4000  }
0x30: {  	s28 =	sadd.s32 $0xFFFFFFFF, s28;
	[sflag:s26] =	ssyncset.done $0x0  }
.LBB2_1:
0x31: {  	p0 =	sne.s32 s28, $0x1;
	s28 =	sadd.s32 $0xFFFFFFFF, s28;
	[sflag:s26] =	ssyncadd.s32 $0xFFFFC000  }
0x32: {  	[tilespmem:s4], [sflag:$0x9] =	stream.linear.gather [hbm4b:s5+s4], $0x100, $0x38;
	[tilespmem:$0x10200] =	vst v63  }
0x33: {  	_ =	swait.ge [sflag:s6], $0x100  }
0x34: {  	[sflag:s6] =	ssyncset.done $0x0  }
0x35: {  	[sflag:s6] =	ssyncadd.s32 $0xFFFFFF00  }
0x36: {  	[tilespmem:s8], [sflag:$0x1] =	stream.indirect.gather [hbm4b:s2+s7], $0x80, s4, s7, $0xb8;
	[tilespmem:$0x10200] =	vst v63  }
0x37: {  	_ = 	snop  }
0x38: {  	[tilespmem:s9], [sflag:$0x2] =	stream.indirect.gather [hbm4b:s2+s7], $0x80, s7, s7, $0xb8;
	[tilespmem:$0x10200] =	vst v63  }
0x39: {  	_ = 	snop  }
0x3a: {  	[tilespmem:s11], [sflag:$0x9] =	stream.linear.gather [hbm4b:s10+s4], $0x100, $0x38;
	[tilespmem:$0x10200] =	vst v63  }
0x3b: {  	_ =	swait.ge [sflag:s6], $0x100  }
0x3c: {  	[sflag:s6] =	ssyncset.done $0x0  }
0x3d: {  	[sflag:s6] =	ssyncadd.s32 $0xFFFFFF00  }
0x3e: {  	[tilespmem:s12], [sflag:$0x3] =	stream.indirect.gather [hbm4b:s3+s7], $0x80, s11, s7, $0xb8;
	[tilespmem:$0x10200] =	vst v63  }
0x3f: {  	_ = 	snop  }
0x40: {  	[tilespmem:s14], [sflag:$0x4] =	stream.indirect.gather [hbm4b:s3+s7], $0x80, s13, s7, $0xb8;
	[tilespmem:$0x10200] =	vst v63  }
0x41: {  	_ =	swait.ge [sflag:s15], $0x4000  }
0x42: {  	[sflag:s15] =	ssyncset.done $0x0  }
0x43: {  	[sflag:s15] =	ssyncadd.s32 $0xFFFFC000  }
0x44: {  	[hbm4b:s16+s4] =	stream.linear.scatter [tilespmem:s8], [sflag:$0x5], $0x4000, $0x38;
	[tilespmem:$0x10200] =	vst v63  }
0x45: {  	_ =	swait.ge [sflag:s17], $0x4000  }
0x46: {  	[sflag:s17] =	ssyncset.done $0x0  }
0x47: {  	[sflag:s17] =	ssyncadd.s32 $0xFFFFC000  }
0x48: {  	[hbm4b:s18+s4] =	stream.linear.scatter [tilespmem:s9], [sflag:$0x6], $0x4000, $0x38;
	[tilespmem:$0x10200] =	vst v63  }
0x49: {  	_ =	swait.ge [sflag:s19], $0x4000  }
0x4a: {  	[sflag:s19] =	ssyncset.done $0x0  }
0x4b: {  	[sflag:s19] =	ssyncadd.s32 $0xFFFFC000  }
0x4c: {  	[hbm4b:s20+s4] =	stream.linear.scatter [tilespmem:s12], [sflag:$0x7], $0x4000, $0x38;
	[tilespmem:$0x10200] =	vst v63  }
0x4d: {  	_ =	swait.ge [sflag:s21], $0x4000  }
0x4e: {  	[sflag:s21] =	ssyncset.done $0x0  }
0x4f: {  	[sflag:s21] =	ssyncadd.s32 $0xFFFFC000  }
0x50: {  	[hbm4b:s22+s4] =	stream.linear.scatter [tilespmem:s14], [sflag:$0x8], $0x4000, $0x38;
	[tilespmem:$0x10200] =	vst v63  }
0x51: {  	_ =	swait.ge [sflag:s23], $0x4000  }
0x52: {  	[sflag:s23] =	ssyncset.done $0x0  }
0x53: {  	[sflag:s23] =	ssyncadd.s32 $0xFFFFC000  }
0x54: {  	_ =	swait.ge [sflag:s24], $0x4000  }
0x55: {  	[sflag:s24] =	ssyncset.done $0x0  }
0x56: {  	[sflag:s24] =	ssyncadd.s32 $0xFFFFC000  }
.Ltmp1:
0x57: {  	_ =	swait.ge [sflag:s25], $0x4000;
	(pc) =	sbr.rel @p0 .LBB2_1-.Ltmp1, $4  }
0x58: {  	[sflag:s25] =	ssyncset.done $0x0  }
0x59: {  	[sflag:s25] =	ssyncadd.s32 $0xFFFFC000  }
0x5a: {  	_ =	swait.ge [sflag:s26], $0x4000  }
0x5b: {  	[sflag:s26] =	ssyncset.done $0x0  }
.LBB2_2:
0x5c: {  	[sflag:s26] =	ssyncadd.s32 $0xFFFFC000  }
0x5d: {  	_ =	sfence.sel $0x180000  }
0x5e: {  	[bflag:$0x0] =	sbarrier.arrive $0xFFFF  }
0x5f: {  	p0 =	sne.s32 s0, $0x0;
	_ =	strace $0x9000004A  }
0x60: {  	s0 =	sadd.s32 @!p0 $0x100000, s1;
	[bflag:$0x2] =	sbarrier.arrive $0xFFFF  }
0x61: {  	[sflag:s0] =	ssyncadd.tile.s32 @!p0 $0x1;
	_ =	shalt  }
.Lfunc_end2:
_tile_overlayer_lowered:
.L_overlay_start_2:
0x62: {  	(tag) =	ssettag $0x2  }
0x63: {  	s0 =	rddreg [dreg:$0x0];
	s2 =	stileid.u32  }
0x64: {  	s1 =	rddreg [dreg:$0x1];
	p0 =	sne.s32 s2, $0x0  }
0x65: {  	s3 =	rddreg [dreg:$0x2];
	[bflag:$0x3] =	sbarrier.arrive $0xFFFF;
	s2 =	simm.s32 @!p0 $0x1C09  }
0x66: {  	[timem:s3], [sflag:s2] =	dma.local @!p0 [hbm:s0], s1  }
0x67: {  	s0 =	simm.s32 @!p0 $0x9  }
0x68: {  	_ =	swait.ge @!p0 [sflag:s0], s1  }
0x69: {  	s1 =	ssub.s32 @!p0 $0x0, s1;
	[sflag:s0] =	ssyncset.done @!p0 $0x0  }
0x6a: {  	[sflag:s0] =	ssyncadd.s32 @!p0 s1  }
0x6b: {  	[bflag:$0x3] =	sbarrier.arrive $0xFFFF  }
0x6c: {  	_ =	shalt  }

</sc_bundles>
